<compile_context>
chip_gen: v7x
topology: tpu7x:2x2x1
jax: 0.10.2.dev20260603
libtpu: 0.0.44.dev20260713+nightly
codegen_flags: <defaults>
</compile_context>

<pallas_src>
import functools

import jax
import jax.numpy as jnp
from jax import lax
from jax.experimental import pallas as pl
from jax.experimental.pallas import tpu as pltpu
from jax.experimental.pallas import tpu_sc as plsc

VOCAB = 1000000
EMBED_DIM = 64
NUM_CLASSES = 1000
BATCH = 16384
SEQLEN = 50

_NC = 2
_NS = 16
_NW = _NC * _NS
_ROWS_PER_W = BATCH // _NW
_PAIRS_PER_W = _ROWS_PER_W // 2
_IDX_PER_GATHER = 2 * SEQLEN
_IDX_PITCH = 104
_QV = EMBED_DIM // 16
_NBUF = 4

_BC = 16384
_N_CBLK = (VOCAB + _BC - 1) // _BC
_TAB_ROWS = _N_CBLK * _BC


def _tc_repack_body(in_ref, o_ref):
    o_ref[:, 0:EMBED_DIM] = jnp.transpose(in_ref[...], (1, 0))


def _sc_pool_body(x_hbm, tab_hbm, out_hbm, idx_v, b0, b1, b2, b3, out_v,
                  s0, s1, s2, s3):
    wid = lax.axis_index("s") * _NC + lax.axis_index("c")
    n_idx = _PAIRS_PER_W * _IDX_PITCH

    pltpu.sync_copy(x_hbm.at[pl.ds(wid * n_idx, n_idx)], idx_v)

    bufs = (b0, b1, b2, b3)
    sems = (s0, s1, s2, s3)

    def start(j, b):
        pltpu.async_copy(
            tab_hbm.at[idx_v.at[pl.ds(j * _IDX_PITCH, _IDX_PER_GATHER)]],
            bufs[b], sems[b])

    def wait(j, b):
        pltpu.make_async_copy(
            tab_hbm.at[idx_v.at[pl.ds(j * _IDX_PITCH, _IDX_PER_GATHER)]],
            bufs[b], sems[b]).wait()

    for j in range(_NBUF - 1):
        start(j, j)

    _U = 5

    def accumulate(buf, j):
        def rbody(t, acc):
            acc = list(acc)
            for u in range(_U):
                r = t * _U + u
                for half in range(2):
                    for q in range(_QV):
                        acc[half * _QV + q] = acc[half * _QV + q] + buf[
                            half * SEQLEN + r, pl.ds(q * 16, 16)]
            return tuple(acc)

        zeros = tuple(jnp.zeros((16,), jnp.float32) for _ in range(2 * _QV))
        acc = lax.fori_loop(0, SEQLEN // _U, rbody, zeros)
        scale = jnp.float32(1.0 / SEQLEN)
        for half in range(2):
            for q in range(_QV):
                out_v[pl.ds((2 * j + half) * EMBED_DIM + q * 16, 16)] = (
                    acc[half * _QV + q] * scale)

    @pl.loop(0, _PAIRS_PER_W, step=_NBUF)
    def _(g):
        for b in range(_NBUF):
            j = g + b
            nxt = (b + _NBUF - 1) % _NBUF

            @pl.when(j + _NBUF - 1 < _PAIRS_PER_W)
            def _():
                start(j + _NBUF - 1, nxt)

            wait(j, b)
            accumulate(bufs[b], j)

    n_out = _ROWS_PER_W * EMBED_DIM
    pltpu.sync_copy(out_v, out_hbm.at[pl.ds(wid * n_out, n_out)])


def _make_sc_pool():
    mesh = plsc.VectorSubcoreMesh(core_axis_name="c", subcore_axis_name="s")
    return pl.kernel(
        _sc_pool_body,
        out_type=jax.ShapeDtypeStruct((BATCH * EMBED_DIM,), jnp.float32),
        mesh=mesh,
        compiler_params=pltpu.CompilerParams(use_tc_tiling_on_sc=True),
        scratch_types=[
            pltpu.VMEM((_PAIRS_PER_W * _IDX_PITCH,), jnp.int32),
            pltpu.VMEM((_IDX_PER_GATHER, 128), jnp.float32),
            pltpu.VMEM((_IDX_PER_GATHER, 128), jnp.float32),
            pltpu.VMEM((_IDX_PER_GATHER, 128), jnp.float32),
            pltpu.VMEM((_IDX_PER_GATHER, 128), jnp.float32),
            pltpu.VMEM((_ROWS_PER_W * EMBED_DIM,), jnp.float32),
            pltpu.SemaphoreType.DMA,
            pltpu.SemaphoreType.DMA,
            pltpu.SemaphoreType.DMA,
            pltpu.SemaphoreType.DMA,
        ],
    )


_BM = 1024


def _tc_head_body(x_ref, w_ref, b_ref, o_ref):
    logits = (
        lax.dot_general(
            w_ref[...], x_ref[...], (((1,), (1,)), ((), ())),
            preferred_element_type=jnp.float32,
        )
        + b_ref[...]
    )
    m = jnp.max(logits, axis=0, keepdims=True)
    e = jnp.exp(logits - m)
    o_ref[...] = e / jnp.sum(e, axis=0, keepdims=True)


@functools.partial(jax.jit, static_argnames=())
def _run(x, emb_table, W, b):
    xg = jnp.reshape(x.astype(jnp.int32), (BATCH // 2, _IDX_PER_GATHER))
    xg = jnp.pad(xg, ((0, 0), (0, _IDX_PITCH - _IDX_PER_GATHER)))
    x_flat = jnp.reshape(xg, (-1,))

    tab = pl.pallas_call(
        _tc_repack_body,
        grid=(_N_CBLK,),
        in_specs=[pl.BlockSpec((EMBED_DIM, _BC), lambda i: (0, i))],
        out_specs=pl.BlockSpec((_BC, 128), lambda i: (i, 0)),
        out_shape=jax.ShapeDtypeStruct((_TAB_ROWS, 128), jnp.float32),
    )(emb_table.T)

    pooled = jnp.reshape(
        _make_sc_pool()(x_flat, tab), (BATCH, EMBED_DIM))

    out_t = pl.pallas_call(
        _tc_head_body,
        grid=(BATCH // _BM,),
        in_specs=[
            pl.BlockSpec((_BM, EMBED_DIM), lambda i: (i, 0)),
            pl.BlockSpec((NUM_CLASSES, EMBED_DIM), lambda i: (0, 0)),
            pl.BlockSpec((NUM_CLASSES, 1), lambda i: (0, 0)),
        ],
        out_specs=pl.BlockSpec((NUM_CLASSES, _BM), lambda i: (0, i)),
        out_shape=jax.ShapeDtypeStruct((NUM_CLASSES, BATCH), jnp.float32),
    )(pooled, W, jnp.reshape(b, (NUM_CLASSES, 1)))
    return jnp.transpose(out_t)


def kernel(x, emb_table, W, b):
    return _run(x, emb_table, W, b)

# --- scband reference (transcript-rebuilt; emitter-appended) ---
"""Pipeline reference for scband-cbow-7765300871666 (READ-ONLY COPY).

The authoritative reference and input builder live on the scoring server;
editing this copy changes nothing except your own understanding.
"""

import jax, jax.numpy as jnp
import numpy as np

VOCAB = 1000000
EMBED_DIM = 64
NUM_CLASSES = 1000
BATCH = 16384
SEQLEN = 50


def setup_inputs(seed: int = 0) -> dict:
    key = jax.random.key(seed)
    k1, k2, k3, k4 = jax.random.split(key, 4)
    x = jax.random.randint(k1, (BATCH, SEQLEN), 0, VOCAB, dtype=jnp.int64 if jax.config.jax_enable_x64 else jnp.int32)
    emb_table = jax.random.normal(k2, (VOCAB, EMBED_DIM), dtype=jnp.float32) * 0.02
    W = jax.random.normal(k3, (NUM_CLASSES, EMBED_DIM), dtype=jnp.float32) * 0.02
    b = jnp.zeros((NUM_CLASSES,), dtype=jnp.float32)
    return {"x": x, "emb_table": emb_table, "W": W, "b": b}


def reference(x, emb_table, W, b):
    # embedding lookup: [B, L] -> [B, L, D]
    h = jnp.take(emb_table, x, axis=0)
    # mean over seqlen dimension (CBOW averaging)
    avg_embedding = jnp.mean(h, axis=1)  # [B, D]
    # linear projection to classes + softmax
    logits = avg_embedding @ W.T + b  # [B, num_classes]
    out = jax.nn.softmax(logits, axis=-1)
    return out

if __name__ == "__main__":
    import jax
    _d = setup_inputs()
    print(jax.jit(kernel)(*tuple(_d.values())))

</pallas_src>

<mosaic_0001>
#map = affine_map<(d0, d1) -> (0)>
#map1 = affine_map<(d0, d1) -> (0, 0)>
module attributes {stable_mosaic.version = 14 : i64} {
  func.func @_sc_pool_body(%arg0: i32, %arg1: i32, %arg2: memref<851968xi32, #tpu.memory_space<hbm>>, %arg3: memref<1015808x128xf32, #tpu.memory_space<hbm>>, %arg4: memref<1048576xf32, #tpu.memory_space<hbm>>, %arg5: memref<26624xi32, #tpu.memory_space<vmem>>, %arg6: memref<100x128xf32, #tpu.memory_space<vmem>>, %arg7: memref<100x128xf32, #tpu.memory_space<vmem>>, %arg8: memref<100x128xf32, #tpu.memory_space<vmem>>, %arg9: memref<100x128xf32, #tpu.memory_space<vmem>>, %arg10: memref<32768xf32, #tpu.memory_space<vmem>>, %arg11: memref<!tpu.dma_semaphore, #tpu.memory_space<semaphore_mem>>, %arg12: memref<!tpu.dma_semaphore, #tpu.memory_space<semaphore_mem>>, %arg13: memref<!tpu.dma_semaphore, #tpu.memory_space<semaphore_mem>>, %arg14: memref<!tpu.dma_semaphore, #tpu.memory_space<semaphore_mem>>) attributes {dimension_semantics = [#tpu.dimension_semantics<core_parallel>, #tpu.dimension_semantics<subcore_parallel>], iteration_bounds = array<i64: 2, 16>, scalar_prefetch = 0 : i64, scratch_operands = 10 : i64, tpu.core_type = #tpu.core_type<sc_vector_subcore>, window_params = [{transform_indices = #map}, {transform_indices = #map1}, {transform_indices = #map}]} {
    %mul3A = arith.constant 2 : i32
    %mul3A_0 = arith.muli %arg1, %mul3A : i32
    %add3A = arith.addi %mul3A_0, %arg0 : i32
    %mul3A_1 = arith.constant 26624 : i32
    %mul3A_2 = arith.muli %add3A, %mul3A_1 : i32
    "tpu.region"() ({
      %run_scoped3A = tpu.sem_alloc : memref<!tpu.dma_semaphore, #tpu.memory_space<semaphore_mem>>
      %dma_start3A_23 = tpu.memref_slice %arg2[%mul3A_2] : memref<851968xi32, #tpu.memory_space<hbm>> -> memref<26624xi32, #tpu.memory_space<hbm>>
      %dma_start3A_24 = tpu.memref_slice %arg2[%mul3A_2] : memref<851968xi32, #tpu.memory_space<hbm>> -> memref<26624xi32, #tpu.memory_space<hbm>>
      tpu.enqueue_dma source(%dma_start3A_24 : memref<26624xi32, #tpu.memory_space<hbm>>) target(%arg5 : memref<26624xi32, #tpu.memory_space<vmem>>) target_semaphore(%run_scoped3A : memref<!tpu.dma_semaphore, #tpu.memory_space<semaphore_mem>>)
      %dma_wait3A = tpu.memref_slice %arg2[%mul3A_2] : memref<851968xi32, #tpu.memory_space<hbm>> -> memref<26624xi32, #tpu.memory_space<hbm>>
      %dma_wait3A_25 = tpu.memref_slice %arg2[%mul3A_2] : memref<851968xi32, #tpu.memory_space<hbm>> -> memref<26624xi32, #tpu.memory_space<hbm>>
      tpu.wait_dma2 semaphore(%run_scoped3A : memref<!tpu.dma_semaphore, #tpu.memory_space<semaphore_mem>>) src(%dma_wait3A_25 : memref<26624xi32, #tpu.memory_space<hbm>>) dst(%arg5 : memref<26624xi32, #tpu.memory_space<vmem>>)
      tpu.yield
    }) : () -> ()
    %dma_start3A = arith.constant 0 : i32
    %dma_start3A_3 = tpu.memref_slice %arg5[%dma_start3A] : memref<26624xi32, #tpu.memory_space<vmem>> -> memref<100xi32, #tpu.memory_space<vmem>>
    %dma_start3A_4 = arith.constant 0 : i32
    %dma_start3A_5 = arith.constant 0 : i32
    %dma_start3A_6 = tpu.memref_slice %arg3[%dma_start3A_4, %dma_start3A_5] : memref<1015808x128xf32, #tpu.memory_space<hbm>> -> memref<1015808x128xf32, #tpu.memory_space<hbm>>
    tpu.enqueue_indirect_dma source(%dma_start3A_6 : memref<1015808x128xf32, #tpu.memory_space<hbm>>) target(%arg6 : memref<100x128xf32, #tpu.memory_space<vmem>>) offsets(%dma_start3A_3 : memref<100xi32, #tpu.memory_space<vmem>>) semaphore(%arg11 : memref<!tpu.dma_semaphore, #tpu.memory_space<semaphore_mem>>)
    %dma_start3A_7 = arith.constant 104 : i32
    %dma_start3A_8 = tpu.memref_slice %arg5[%dma_start3A_7] : memref<26624xi32, #tpu.memory_space<vmem>> -> memref<100xi32, #tpu.memory_space<vmem>>
    %dma_start3A_9 = arith.constant 0 : i32
    %dma_start3A_10 = arith.constant 0 : i32
    %dma_start3A_11 = tpu.memref_slice %arg3[%dma_start3A_9, %dma_start3A_10] : memref<1015808x128xf32, #tpu.memory_space<hbm>> -> memref<1015808x128xf32, #tpu.memory_space<hbm>>
    tpu.enqueue_indirect_dma source(%dma_start3A_11 : memref<1015808x128xf32, #tpu.memory_space<hbm>>) target(%arg7 : memref<100x128xf32, #tpu.memory_space<vmem>>) offsets(%dma_start3A_8 : memref<100xi32, #tpu.memory_space<vmem>>) semaphore(%arg12 : memref<!tpu.dma_semaphore, #tpu.memory_space<semaphore_mem>>)
    %dma_start3A_12 = arith.constant 208 : i32
    %dma_start3A_13 = tpu.memref_slice %arg5[%dma_start3A_12] : memref<26624xi32, #tpu.memory_space<vmem>> -> memref<100xi32, #tpu.memory_space<vmem>>
    %dma_start3A_14 = arith.constant 0 : i32
    %dma_start3A_15 = arith.constant 0 : i32
    %dma_start3A_16 = tpu.memref_slice %arg3[%dma_start3A_14, %dma_start3A_15] : memref<1015808x128xf32, #tpu.memory_space<hbm>> -> memref<1015808x128xf32, #tpu.memory_space<hbm>>
    tpu.enqueue_indirect_dma source(%dma_start3A_16 : memref<1015808x128xf32, #tpu.memory_space<hbm>>) target(%arg8 : memref<100x128xf32, #tpu.memory_space<vmem>>) offsets(%dma_start3A_13 : memref<100xi32, #tpu.memory_space<vmem>>) semaphore(%arg13 : memref<!tpu.dma_semaphore, #tpu.memory_space<semaphore_mem>>)
    %scan3A = arith.constant 0 : i32
    %scan3A_17 = arith.constant 64 : i32
    %scan3A_18 = arith.addi %scan3A, %scan3A_17 : i32
    %scan3A_19 = arith.constant 1 : i32
    scf.for %scan3A_23 = %scan3A to %scan3A_18 step %scan3A_19  : i32 {
      %mul3A_24 = arith.constant 4 : i32
      %mul3A_25 = arith.muli %scan3A_23, %mul3A_24 : i32
      %add3A_26 = arith.constant 0 : i32
      %add3A_27 = arith.addi %add3A_26, %mul3A_25 : i32
      %add3A_28 = arith.constant 0 : i32
      %add3A_29 = arith.addi %add3A_27, %add3A_28 : i32
      %add3A_30 = arith.constant 4 : i32
      %add3A_31 = arith.addi %add3A_29, %add3A_30 : i32
      %sub3A = arith.constant 1 : i32
      %sub3A_32 = arith.subi %add3A_31, %sub3A : i32
      %lt3A = arith.constant 256 : i32
      %lt3A_33 = arith.cmpi slt, %sub3A_32, %lt3A : i32
      %convert_element_type3A = arith.extui %lt3A_33 : i1 to i32
      %cond3A = arith.constant 0 : i32
      %cond3A_34 = arith.cmpi ne, %convert_element_type3A, %cond3A : i32
      scf.if %cond3A_34 {
        %add3A_657 = arith.constant 4 : i32
        %add3A_658 = arith.addi %add3A_29, %add3A_657 : i32
        %sub3A_659 = arith.constant 1 : i32
        %sub3A_660 = arith.subi %add3A_658, %sub3A_659 : i32
        %mul3A_661 = arith.constant 104 : i32
        %mul3A_662 = arith.muli %sub3A_660, %mul3A_661 : i32
        %dma_start3A_663 = tpu.memref_slice %arg5[%mul3A_662] : memref<26624xi32, #tpu.memory_space<vmem>> -> memref<100xi32, #tpu.memory_space<vmem>>
        %dma_start3A_664 = arith.constant 0 : i32
        %dma_start3A_665 = arith.constant 0 : i32
        %dma_start3A_666 = tpu.memref_slice %arg3[%dma_start3A_664, %dma_start3A_665] : memref<1015808x128xf32, #tpu.memory_space<hbm>> -> memref<1015808x128xf32, #tpu.memory_space<hbm>>
        tpu.enqueue_indirect_dma source(%dma_start3A_666 : memref<1015808x128xf32, #tpu.memory_space<hbm>>) target(%arg9 : memref<100x128xf32, #tpu.memory_space<vmem>>) offsets(%dma_start3A_663 : memref<100xi32, #tpu.memory_space<vmem>>) semaphore(%arg14 : memref<!tpu.dma_semaphore, #tpu.memory_space<semaphore_mem>>)
      } else {
      }
      %mul3A_35 = arith.constant 104 : i32
      %mul3A_36 = arith.muli %add3A_29, %mul3A_35 : i32
      %dma_wait3A = tpu.memref_slice %arg5[%mul3A_36] : memref<26624xi32, #tpu.memory_space<vmem>> -> memref<100xi32, #tpu.memory_space<vmem>>
      %dma_wait3A_37 = arith.constant 0 : i32
      %dma_wait3A_38 = arith.constant 0 : i32
      %dma_wait3A_39 = tpu.memref_slice %arg3[%dma_wait3A_37, %dma_wait3A_38] : memref<1015808x128xf32, #tpu.memory_space<hbm>> -> memref<1015808x128xf32, #tpu.memory_space<hbm>>
      tpu.wait_indirect_dma semaphore(%arg11 : memref<!tpu.dma_semaphore, #tpu.memory_space<semaphore_mem>>) src(%dma_wait3A_39 : memref<1015808x128xf32, #tpu.memory_space<hbm>>) dst(%arg6 : memref<100x128xf32, #tpu.memory_space<vmem>>)
      %broadcast_in_dim3A = arith.constant 0.000000e+00 : f32
      %broadcast_in_dim3A_40 = vector.broadcast %broadcast_in_dim3A : f32 to vector<16xf32>
      %broadcast_in_dim3A_41 = arith.constant 0.000000e+00 : f32
      %broadcast_in_dim3A_42 = vector.broadcast %broadcast_in_dim3A_41 : f32 to vector<16xf32>
      %broadcast_in_dim3A_43 = arith.constant 0.000000e+00 : f32
      %broadcast_in_dim3A_44 = vector.broadcast %broadcast_in_dim3A_43 : f32 to vector<16xf32>
      %broadcast_in_dim3A_45 = arith.constant 0.000000e+00 : f32
      %broadcast_in_dim3A_46 = vector.broadcast %broadcast_in_dim3A_45 : f32 to vector<16xf32>
      %broadcast_in_dim3A_47 = arith.constant 0.000000e+00 : f32
      %broadcast_in_dim3A_48 = vector.broadcast %broadcast_in_dim3A_47 : f32 to vector<16xf32>
      %broadcast_in_dim3A_49 = arith.constant 0.000000e+00 : f32
      %broadcast_in_dim3A_50 = vector.broadcast %broadcast_in_dim3A_49 : f32 to vector<16xf32>
      %broadcast_in_dim3A_51 = arith.constant 0.000000e+00 : f32
      %broadcast_in_dim3A_52 = vector.broadcast %broadcast_in_dim3A_51 : f32 to vector<16xf32>
      %broadcast_in_dim3A_53 = arith.constant 0.000000e+00 : f32
      %broadcast_in_dim3A_54 = vector.broadcast %broadcast_in_dim3A_53 : f32 to vector<16xf32>
      %scan3A_55 = arith.constant 0 : i32
      %scan3A_56 = arith.constant 10 : i32
      %scan3A_57 = arith.addi %scan3A_55, %scan3A_56 : i32
      %scan3A_58 = arith.constant 1 : i32
      %scan3A_59:8 = scf.for %scan3A_657 = %scan3A_55 to %scan3A_57 step %scan3A_58 iter_args(%scan3A_658 = %broadcast_in_dim3A_40, %scan3A_659 = %broadcast_in_dim3A_42, %scan3A_660 = %broadcast_in_dim3A_44, %scan3A_661 = %broadcast_in_dim3A_46, %scan3A_662 = %broadcast_in_dim3A_48, %scan3A_663 = %broadcast_in_dim3A_50, %scan3A_664 = %broadcast_in_dim3A_52, %scan3A_665 = %broadcast_in_dim3A_54) -> (vector<16xf32>, vector<16xf32>, vector<16xf32>, vector<16xf32>, vector<16xf32>, vector<16xf32>, vector<16xf32>, vector<16xf32>)  : i32 {
        %mul3A_666 = arith.constant 5 : i32
        %mul3A_667 = arith.muli %scan3A_657, %mul3A_666 : i32
        %add3A_668 = arith.constant 0 : i32
        %add3A_669 = arith.addi %mul3A_667, %add3A_668 : i32
        %add3A_670 = arith.constant 0 : i32
        %add3A_671 = arith.addi %add3A_670, %add3A_669 : i32
        %get3A = arith.index_cast %add3A_671 : i32 to index
        %get3A_672 = arith.constant 0 : index
        %get3A_673 = tpu.vector_load %arg6[%get3A, %get3A_672] {strides = array<i32>} : memref<100x128xf32, #tpu.memory_space<vmem>>, vector<1x16xf32>,
        %get3A_674 = vector.shape_cast %get3A_673 : vector<1x16xf32> to vector<16xf32>
        %add3A_675 = arith.addf %scan3A_658, %get3A_674 : vector<16xf32>
        %add3A_676 = arith.constant 0 : i32
        %add3A_677 = arith.addi %add3A_676, %add3A_669 : i32
        %get3A_678 = arith.index_cast %add3A_677 : i32 to index
        %get3A_679 = arith.constant 16 : index
        %get3A_680 = tpu.vector_load %arg6[%get3A_678, %get3A_679] {strides = array<i32>} : memref<100x128xf32, #tpu.memory_space<vmem>>, vector<1x16xf32>,
        %get3A_681 = vector.shape_cast %get3A_680 : vector<1x16xf32> to vector<16xf32>
        %add3A_682 = arith.addf %scan3A_659, %get3A_681 : vector<16xf32>
        %add3A_683 = arith.constant 0 : i32
        %add3A_684 = arith.addi %add3A_683, %add3A_669 : i32
        %get3A_685 = arith.index_cast %add3A_684 : i32 to index
        %get3A_686 = arith.constant 32 : index
        %get3A_687 = tpu.vector_load %arg6[%get3A_685, %get3A_686] {strides = array<i32>} : memref<100x128xf32, #tpu.memory_space<vmem>>, vector<1x16xf32>,
        %get3A_688 = vector.shape_cast %get3A_687 : vector<1x16xf32> to vector<16xf32>
        %add3A_689 = arith.addf %scan3A_660, %get3A_688 : vector<16xf32>
        %add3A_690 = arith.constant 0 : i32
        %add3A_691 = arith.addi %add3A_690, %add3A_669 : i32
        %get3A_692 = arith.index_cast %add3A_691 : i32 to index
        %get3A_693 = arith.constant 48 : index
        %get3A_694 = tpu.vector_load %arg6[%get3A_692, %get3A_693] {strides = array<i32>} : memref<100x128xf32, #tpu.memory_space<vmem>>, vector<1x16xf32>,
        %get3A_695 = vector.shape_cast %get3A_694 : vector<1x16xf32> to vector<16xf32>
        %add3A_696 = arith.addf %scan3A_661, %get3A_695 : vector<16xf32>
        %add3A_697 = arith.constant 50 : i32
        %add3A_698 = arith.addi %add3A_697, %add3A_669 : i32
        %get3A_699 = arith.index_cast %add3A_698 : i32 to index
        %get3A_700 = arith.constant 0 : index
        %get3A_701 = tpu.vector_load %arg6[%get3A_699, %get3A_700] {strides = array<i32>} : memref<100x128xf32, #tpu.memory_space<vmem>>, vector<1x16xf32>,
        %get3A_702 = vector.shape_cast %get3A_701 : vector<1x16xf32> to vector<16xf32>
        %add3A_703 = arith.addf %scan3A_662, %get3A_702 : vector<16xf32>
        %add3A_704 = arith.constant 50 : i32
        %add3A_705 = arith.addi %add3A_704, %add3A_669 : i32
        %get3A_706 = arith.index_cast %add3A_705 : i32 to index
        %get3A_707 = arith.constant 16 : index
        %get3A_708 = tpu.vector_load %arg6[%get3A_706, %get3A_707] {strides = array<i32>} : memref<100x128xf32, #tpu.memory_space<vmem>>, vector<1x16xf32>,
        %get3A_709 = vector.shape_cast %get3A_708 : vector<1x16xf32> to vector<16xf32>
        %add3A_710 = arith.addf %scan3A_663, %get3A_709 : vector<16xf32>
        %add3A_711 = arith.constant 50 : i32
        %add3A_712 = arith.addi %add3A_711, %add3A_669 : i32
        %get3A_713 = arith.index_cast %add3A_712 : i32 to index
        %get3A_714 = arith.constant 32 : index
        %get3A_715 = tpu.vector_load %arg6[%get3A_713, %get3A_714] {strides = array<i32>} : memref<100x128xf32, #tpu.memory_space<vmem>>, vector<1x16xf32>,
        %get3A_716 = vector.shape_cast %get3A_715 : vector<1x16xf32> to vector<16xf32>
        %add3A_717 = arith.addf %scan3A_664, %get3A_716 : vector<16xf32>
        %add3A_718 = arith.constant 50 : i32
        %add3A_719 = arith.addi %add3A_718, %add3A_669 : i32
        %get3A_720 = arith.index_cast %add3A_719 : i32 to index
        %get3A_721 = arith.constant 48 : index
        %get3A_722 = tpu.vector_load %arg6[%get3A_720, %get3A_721] {strides = array<i32>} : memref<100x128xf32, #tpu.memory_space<vmem>>, vector<1x16xf32>,
        %get3A_723 = vector.shape_cast %get3A_722 : vector<1x16xf32> to vector<16xf32>
        %add3A_724 = arith.addf %scan3A_665, %get3A_723 : vector<16xf32>
        %mul3A_725 = arith.constant 5 : i32
        %mul3A_726 = arith.muli %scan3A_657, %mul3A_725 : i32
        %add3A_727 = arith.constant 1 : i32
        %add3A_728 = arith.addi %mul3A_726, %add3A_727 : i32
        %add3A_729 = arith.constant 0 : i32
        %add3A_730 = arith.addi %add3A_729, %add3A_728 : i32
        %get3A_731 = arith.index_cast %add3A_730 : i32 to index
        %get3A_732 = arith.constant 0 : index
        %get3A_733 = tpu.vector_load %arg6[%get3A_731, %get3A_732] {strides = array<i32>} : memref<100x128xf32, #tpu.memory_space<vmem>>, vector<1x16xf32>,
        %get3A_734 = vector.shape_cast %get3A_733 : vector<1x16xf32> to vector<16xf32>
        %add3A_735 = arith.addf %add3A_675, %get3A_734 : vector<16xf32>
        %add3A_736 = arith.constant 0 : i32
        %add3A_737 = arith.addi %add3A_736, %add3A_728 : i32
        %get3A_738 = arith.index_cast %add3A_737 : i32 to index
        %get3A_739 = arith.constant 16 : index
        %get3A_740 = tpu.vector_load %arg6[%get3A_738, %get3A_739] {strides = array<i32>} : memref<100x128xf32, #tpu.memory_space<vmem>>, vector<1x16xf32>,
        %get3A_741 = vector.shape_cast %get3A_740 : vector<1x16xf32> to vector<16xf32>
        %add3A_742 = arith.addf %add3A_682, %get3A_741 : vector<16xf32>
        %add3A_743 = arith.constant 0 : i32
        %add3A_744 = arith.addi %add3A_743, %add3A_728 : i32
        %get3A_745 = arith.index_cast %add3A_744 : i32 to index
        %get3A_746 = arith.constant 32 : index
        %get3A_747 = tpu.vector_load %arg6[%get3A_745, %get3A_746] {strides = array<i32>} : memref<100x128xf32, #tpu.memory_space<vmem>>, vector<1x16xf32>,
        %get3A_748 = vector.shape_cast %get3A_747 : vector<1x16xf32> to vector<16xf32>
        %add3A_749 = arith.addf %add3A_689, %get3A_748 : vector<16xf32>
        %add3A_750 = arith.constant 0 : i32
        %add3A_751 = arith.addi %add3A_750, %add3A_728 : i32
        %get3A_752 = arith.index_cast %add3A_751 : i32 to index
        %get3A_753 = arith.constant 48 : index
        %get3A_754 = tpu.vector_load %arg6[%get3A_752, %get3A_753] {strides = array<i32>} : memref<100x128xf32, #tpu.memory_space<vmem>>, vector<1x16xf32>,
        %get3A_755 = vector.shape_cast %get3A_754 : vector<1x16xf32> to vector<16xf32>
        %add3A_756 = arith.addf %add3A_696, %get3A_755 : vector<16xf32>
        %add3A_757 = arith.constant 50 : i32
        %add3A_758 = arith.addi %add3A_757, %add3A_728 : i32
        %get3A_759 = arith.index_cast %add3A_758 : i32 to index
        %get3A_760 = arith.constant 0 : index
        %get3A_761 = tpu.vector_load %arg6[%get3A_759, %get3A_760] {strides = array<i32>} : memref<100x128xf32, #tpu.memory_space<vmem>>, vector<1x16xf32>,
        %get3A_762 = vector.shape_cast %get3A_761 : vector<1x16xf32> to vector<16xf32>
        %add3A_763 = arith.addf %add3A_703, %get3A_762 : vector<16xf32>
        %add3A_764 = arith.constant 50 : i32
        %add3A_765 = arith.addi %add3A_764, %add3A_728 : i32
        %get3A_766 = arith.index_cast %add3A_765 : i32 to index
        %get3A_767 = arith.constant 16 : index
        %get3A_768 = tpu.vector_load %arg6[%get3A_766, %get3A_767] {strides = array<i32>} : memref<100x128xf32, #tpu.memory_space<vmem>>, vector<1x16xf32>,
        %get3A_769 = vector.shape_cast %get3A_768 : vector<1x16xf32> to vector<16xf32>
        %add3A_770 = arith.addf %add3A_710, %get3A_769 : vector<16xf32>
        %add3A_771 = arith.constant 50 : i32
        %add3A_772 = arith.addi %add3A_771, %add3A_728 : i32
        %get3A_773 = arith.index_cast %add3A_772 : i32 to index
        %get3A_774 = arith.constant 32 : index
        %get3A_775 = tpu.vector_load %arg6[%get3A_773, %get3A_774] {strides = array<i32>} : memref<100x128xf32, #tpu.memory_space<vmem>>, vector<1x16xf32>,
        %get3A_776 = vector.shape_cast %get3A_775 : vector<1x16xf32> to vector<16xf32>
        %add3A_777 = arith.addf %add3A_717, %get3A_776 : vector<16xf32>
        %add3A_778 = arith.constant 50 : i32
        %add3A_779 = arith.addi %add3A_778, %add3A_728 : i32
        %get3A_780 = arith.index_cast %add3A_779 : i32 to index
        %get3A_781 = arith.constant 48 : index
        %get3A_782 = tpu.vector_load %arg6[%get3A_780, %get3A_781] {strides = array<i32>} : memref<100x128xf32, #tpu.memory_space<vmem>>, vector<1x16xf32>,
        %get3A_783 = vector.shape_cast %get3A_782 : vector<1x16xf32> to vector<16xf32>
        %add3A_784 = arith.addf %add3A_724, %get3A_783 : vector<16xf32>
        %mul3A_785 = arith.constant 5 : i32
        %mul3A_786 = arith.muli %scan3A_657, %mul3A_785 : i32
        %add3A_787 = arith.constant 2 : i32
        %add3A_788 = arith.addi %mul3A_786, %add3A_787 : i32
        %add3A_789 = arith.constant 0 : i32
        %add3A_790 = arith.addi %add3A_789, %add3A_788 : i32
        %get3A_791 = arith.index_cast %add3A_790 : i32 to index
        %get3A_792 = arith.constant 0 : index
        %get3A_793 = tpu.vector_load %arg6[%get3A_791, %get3A_792] {strides = array<i32>} : memref<100x128xf32, #tpu.memory_space<vmem>>, vector<1x16xf32>,
        %get3A_794 = vector.shape_cast %get3A_793 : vector<1x16xf32> to vector<16xf32>
        %add3A_795 = arith.addf %add3A_735, %get3A_794 : vector<16xf32>
        %add3A_796 = arith.constant 0 : i32
        %add3A_797 = arith.addi %add3A_796, %add3A_788 : i32
        %get3A_798 = arith.index_cast %add3A_797 : i32 to index
        %get3A_799 = arith.constant 16 : index
        %get3A_800 = tpu.vector_load %arg6[%get3A_798, %get3A_799] {strides = array<i32>} : memref<100x128xf32, #tpu.memory_space<vmem>>, vector<1x16xf32>,
        %get3A_801 = vector.shape_cast %get3A_800 : vector<1x16xf32> to vector<16xf32>
        %add3A_802 = arith.addf %add3A_742, %get3A_801 : vector<16xf32>
        %add3A_803 = arith.constant 0 : i32
        %add3A_804 = arith.addi %add3A_803, %add3A_788 : i32
        %get3A_805 = arith.index_cast %add3A_804 : i32 to index
        %get3A_806 = arith.constant 32 : index
        %get3A_807 = tpu.vector_load %arg6[%get3A_805, %get3A_806] {strides = array<i32>} : memref<100x128xf32, #tpu.memory_space<vmem>>, vector<1x16xf32>,
        %get3A_808 = vector.shape_cast %get3A_807 : vector<1x16xf32> to vector<16xf32>
        %add3A_809 = arith.addf %add3A_749, %get3A_808 : vector<16xf32>
        %add3A_810 = arith.constant 0 : i32
        %add3A_811 = arith.addi %add3A_810, %add3A_788 : i32
        %get3A_812 = arith.index_cast %add3A_811 : i32 to index
        %get3A_813 = arith.constant 48 : index
        %get3A_814 = tpu.vector_load %arg6[%get3A_812, %get3A_813] {strides = array<i32>} : memref<100x128xf32, #tpu.memory_space<vmem>>, vector<1x16xf32>,
        %get3A_815 = vector.shape_cast %get3A_814 : vector<1x16xf32> to vector<16xf32>
        %add3A_816 = arith.addf %add3A_756, %get3A_815 : vector<16xf32>
        %add3A_817 = arith.constant 50 : i32
        %add3A_818 = arith.addi %add3A_817, %add3A_788 : i32
        %get3A_819 = arith.index_cast %add3A_818 : i32 to index
        %get3A_820 = arith.constant 0 : index
        %get3A_821 = tpu.vector_load %arg6[%get3A_819, %get3A_820] {strides = array<i32>} : memref<100x128xf32, #tpu.memory_space<vmem>>, vector<1x16xf32>,
        %get3A_822 = vector.shape_cast %get3A_821 : vector<1x16xf32> to vector<16xf32>
        %add3A_823 = arith.addf %add3A_763, %get3A_822 : vector<16xf32>
        %add3A_824 = arith.constant 50 : i32
        %add3A_825 = arith.addi %add3A_824, %add3A_788 : i32
        %get3A_826 = arith.index_cast %add3A_825 : i32 to index
        %get3A_827 = arith.constant 16 : index
        %get3A_828 = tpu.vector_load %arg6[%get3A_826, %get3A_827] {strides = array<i32>} : memref<100x128xf32, #tpu.memory_space<vmem>>, vector<1x16xf32>,
        %get3A_829 = vector.shape_cast %get3A_828 : vector<1x16xf32> to vector<16xf32>
        %add3A_830 = arith.addf %add3A_770, %get3A_829 : vector<16xf32>
        %add3A_831 = arith.constant 50 : i32
        %add3A_832 = arith.addi %add3A_831, %add3A_788 : i32
        %get3A_833 = arith.index_cast %add3A_832 : i32 to index
        %get3A_834 = arith.constant 32 : index
        %get3A_835 = tpu.vector_load %arg6[%get3A_833, %get3A_834] {strides = array<i32>} : memref<100x128xf32, #tpu.memory_space<vmem>>, vector<1x16xf32>,
        %get3A_836 = vector.shape_cast %get3A_835 : vector<1x16xf32> to vector<16xf32>
        %add3A_837 = arith.addf %add3A_777, %get3A_836 : vector<16xf32>
        %add3A_838 = arith.constant 50 : i32
        %add3A_839 = arith.addi %add3A_838, %add3A_788 : i32
        %get3A_840 = arith.index_cast %add3A_839 : i32 to index
        %get3A_841 = arith.constant 48 : index
        %get3A_842 = tpu.vector_load %arg6[%get3A_840, %get3A_841] {strides = array<i32>} : memref<100x128xf32, #tpu.memory_space<vmem>>, vector<1x16xf32>,
        %get3A_843 = vector.shape_cast %get3A_842 : vector<1x16xf32> to vector<16xf32>
        %add3A_844 = arith.addf %add3A_784, %get3A_843 : vector<16xf32>
        %mul3A_845 = arith.constant 5 : i32
        %mul3A_846 = arith.muli %scan3A_657, %mul3A_845 : i32
        %add3A_847 = arith.constant 3 : i32
        %add3A_848 = arith.addi %mul3A_846, %add3A_847 : i32
        %add3A_849 = arith.constant 0 : i32
        %add3A_850 = arith.addi %add3A_849, %add3A_848 : i32
        %get3A_851 = arith.index_cast %add3A_850 : i32 to index
        %get3A_852 = arith.constant 0 : index
        %get3A_853 = tpu.vector_load %arg6[%get3A_851, %get3A_852] {strides = array<i32>} : memref<100x128xf32, #tpu.memory_space<vmem>>, vector<1x16xf32>,
        %get3A_854 = vector.shape_cast %get3A_853 : vector<1x16xf32> to vector<16xf32>
        %add3A_855 = arith.addf %add3A_795, %get3A_854 : vector<16xf32>
        %add3A_856 = arith.constant 0 : i32
        %add3A_857 = arith.addi %add3A_856, %add3A_848 : i32
        %get3A_858 = arith.index_cast %add3A_857 : i32 to index
        %get3A_859 = arith.constant 16 : index
        %get3A_860 = tpu.vector_load %arg6[%get3A_858, %get3A_859] {strides = array<i32>} : memref<100x128xf32, #tpu.memory_space<vmem>>, vector<1x16xf32>,
        %get3A_861 = vector.shape_cast %get3A_860 : vector<1x16xf32> to vector<16xf32>
        %add3A_862 = arith.addf %add3A_802, %get3A_861 : vector<16xf32>
        %add3A_863 = arith.constant 0 : i32
        %add3A_864 = arith.addi %add3A_863, %add3A_848 : i32
        %get3A_865 = arith.index_cast %add3A_864 : i32 to index
        %get3A_866 = arith.constant 32 : index
        %get3A_867 = tpu.vector_load %arg6[%get3A_865, %get3A_866] {strides = array<i32>} : memref<100x128xf32, #tpu.memory_space<vmem>>, vector<1x16xf32>,
        %get3A_868 = vector.shape_cast %get3A_867 : vector<1x16xf32> to vector<16xf32>
        %add3A_869 = arith.addf %add3A_809, %get3A_868 : vector<16xf32>
        %add3A_870 = arith.constant 0 : i32
        %add3A_871 = arith.addi %add3A_870, %add3A_848 : i32
        %get3A_872 = arith.index_cast %add3A_871 : i32 to index
        %get3A_873 = arith.constant 48 : index
        %get3A_874 = tpu.vector_load %arg6[%get3A_872, %get3A_873] {strides = array<i32>} : memref<100x128xf32, #tpu.memory_space<vmem>>, vector<1x16xf32>,
        %get3A_875 = vector.shape_cast %get3A_874 : vector<1x16xf32> to vector<16xf32>
        %add3A_876 = arith.addf %add3A_816, %get3A_875 : vector<16xf32>
        %add3A_877 = arith.constant 50 : i32
        %add3A_878 = arith.addi %add3A_877, %add3A_848 : i32
        %get3A_879 = arith.index_cast %add3A_878 : i32 to index
        %get3A_880 = arith.constant 0 : index
        %get3A_881 = tpu.vector_load %arg6[%get3A_879, %get3A_880] {strides = array<i32>} : memref<100x128xf32, #tpu.memory_space<vmem>>, vector<1x16xf32>,
        %get3A_882 = vector.shape_cast %get3A_881 : vector<1x16xf32> to vector<16xf32>
        %add3A_883 = arith.addf %add3A_823, %get3A_882 : vector<16xf32>
        %add3A_884 = arith.constant 50 : i32
        %add3A_885 = arith.addi %add3A_884, %add3A_848 : i32
        %get3A_886 = arith.index_cast %add3A_885 : i32 to index
        %get3A_887 = arith.constant 16 : index
        %get3A_888 = tpu.vector_load %arg6[%get3A_886, %get3A_887] {strides = array<i32>} : memref<100x128xf32, #tpu.memory_space<vmem>>, vector<1x16xf32>,
        %get3A_889 = vector.shape_cast %get3A_888 : vector<1x16xf32> to vector<16xf32>
        %add3A_890 = arith.addf %add3A_830, %get3A_889 : vector<16xf32>
        %add3A_891 = arith.constant 50 : i32
        %add3A_892 = arith.addi %add3A_891, %add3A_848 : i32
        %get3A_893 = arith.index_cast %add3A_892 : i32 to index
        %get3A_894 = arith.constant 32 : index
        %get3A_895 = tpu.vector_load %arg6[%get3A_893, %get3A_894] {strides = array<i32>} : memref<100x128xf32, #tpu.memory_space<vmem>>, vector<1x16xf32>,
        %get3A_896 = vector.shape_cast %get3A_895 : vector<1x16xf32> to vector<16xf32>
        %add3A_897 = arith.addf %add3A_837, %get3A_896 : vector<16xf32>
        %add3A_898 = arith.constant 50 : i32
        %add3A_899 = arith.addi %add3A_898, %add3A_848 : i32
        %get3A_900 = arith.index_cast %add3A_899 : i32 to index
        %get3A_901 = arith.constant 48 : index
        %get3A_902 = tpu.vector_load %arg6[%get3A_900, %get3A_901] {strides = array<i32>} : memref<100x128xf32, #tpu.memory_space<vmem>>, vector<1x16xf32>,
        %get3A_903 = vector.shape_cast %get3A_902 : vector<1x16xf32> to vector<16xf32>
        %add3A_904 = arith.addf %add3A_844, %get3A_903 : vector<16xf32>
        %mul3A_905 = arith.constant 5 : i32
        %mul3A_906 = arith.muli %scan3A_657, %mul3A_905 : i32
        %add3A_907 = arith.constant 4 : i32
        %add3A_908 = arith.addi %mul3A_906, %add3A_907 : i32
        %add3A_909 = arith.constant 0 : i32
        %add3A_910 = arith.addi %add3A_909, %add3A_908 : i32
        %get3A_911 = arith.index_cast %add3A_910 : i32 to index
        %get3A_912 = arith.constant 0 : index
        %get3A_913 = tpu.vector_load %arg6[%get3A_911, %get3A_912] {strides = array<i32>} : memref<100x128xf32, #tpu.memory_space<vmem>>, vector<1x16xf32>,
        %get3A_914 = vector.shape_cast %get3A_913 : vector<1x16xf32> to vector<16xf32>
        %add3A_915 = arith.addf %add3A_855, %get3A_914 : vector<16xf32>
        %add3A_916 = arith.constant 0 : i32
        %add3A_917 = arith.addi %add3A_916, %add3A_908 : i32
        %get3A_918 = arith.index_cast %add3A_917 : i32 to index
        %get3A_919 = arith.constant 16 : index
        %get3A_920 = tpu.vector_load %arg6[%get3A_918, %get3A_919] {strides = array<i32>} : memref<100x128xf32, #tpu.memory_space<vmem>>, vector<1x16xf32>,
        %get3A_921 = vector.shape_cast %get3A_920 : vector<1x16xf32> to vector<16xf32>
        %add3A_922 = arith.addf %add3A_862, %get3A_921 : vector<16xf32>
        %add3A_923 = arith.constant 0 : i32
        %add3A_924 = arith.addi %add3A_923, %add3A_908 : i32
        %get3A_925 = arith.index_cast %add3A_924 : i32 to index
        %get3A_926 = arith.constant 32 : index
        %get3A_927 = tpu.vector_load %arg6[%get3A_925, %get3A_926] {strides = array<i32>} : memref<100x128xf32, #tpu.memory_space<vmem>>, vector<1x16xf32>,
        %get3A_928 = vector.shape_cast %get3A_927 : vector<1x16xf32> to vector<16xf32>
        %add3A_929 = arith.addf %add3A_869, %get3A_928 : vector<16xf32>
        %add3A_930 = arith.constant 0 : i32
        %add3A_931 = arith.addi %add3A_930, %add3A_908 : i32
        %get3A_932 = arith.index_cast %add3A_931 : i32 to index
        %get3A_933 = arith.constant 48 : index
        %get3A_934 = tpu.vector_load %arg6[%get3A_932, %get3A_933] {strides = array<i32>} : memref<100x128xf32, #tpu.memory_space<vmem>>, vector<1x16xf32>,
        %get3A_935 = vector.shape_cast %get3A_934 : vector<1x16xf32> to vector<16xf32>
        %add3A_936 = arith.addf %add3A_876, %get3A_935 : vector<16xf32>
        %add3A_937 = arith.constant 50 : i32
        %add3A_938 = arith.addi %add3A_937, %add3A_908 : i32
        %get3A_939 = arith.index_cast %add3A_938 : i32 to index
        %get3A_940 = arith.constant 0 : index
        %get3A_941 = tpu.vector_load %arg6[%get3A_939, %get3A_940] {strides = array<i32>} : memref<100x128xf32, #tpu.memory_space<vmem>>, vector<1x16xf32>,
        %get3A_942 = vector.shape_cast %get3A_941 : vector<1x16xf32> to vector<16xf32>
        %add3A_943 = arith.addf %add3A_883, %get3A_942 : vector<16xf32>
        %add3A_944 = arith.constant 50 : i32
        %add3A_945 = arith.addi %add3A_944, %add3A_908 : i32
        %get3A_946 = arith.index_cast %add3A_945 : i32 to index
        %get3A_947 = arith.constant 16 : index
        %get3A_948 = tpu.vector_load %arg6[%get3A_946, %get3A_947] {strides = array<i32>} : memref<100x128xf32, #tpu.memory_space<vmem>>, vector<1x16xf32>,
        %get3A_949 = vector.shape_cast %get3A_948 : vector<1x16xf32> to vector<16xf32>
        %add3A_950 = arith.addf %add3A_890, %get3A_949 : vector<16xf32>
        %add3A_951 = arith.constant 50 : i32
        %add3A_952 = arith.addi %add3A_951, %add3A_908 : i32
        %get3A_953 = arith.index_cast %add3A_952 : i32 to index
        %get3A_954 = arith.constant 32 : index
        %get3A_955 = tpu.vector_load %arg6[%get3A_953, %get3A_954] {strides = array<i32>} : memref<100x128xf32, #tpu.memory_space<vmem>>, vector<1x16xf32>,
        %get3A_956 = vector.shape_cast %get3A_955 : vector<1x16xf32> to vector<16xf32>
        %add3A_957 = arith.addf %add3A_897, %get3A_956 : vector<16xf32>
        %add3A_958 = arith.constant 50 : i32
        %add3A_959 = arith.addi %add3A_958, %add3A_908 : i32
        %get3A_960 = arith.index_cast %add3A_959 : i32 to index
        %get3A_961 = arith.constant 48 : index
        %get3A_962 = tpu.vector_load %arg6[%get3A_960, %get3A_961] {strides = array<i32>} : memref<100x128xf32, #tpu.memory_space<vmem>>, vector<1x16xf32>,
        %get3A_963 = vector.shape_cast %get3A_962 : vector<1x16xf32> to vector<16xf32>
        %add3A_964 = arith.addf %add3A_904, %get3A_963 : vector<16xf32>
        scf.yield %add3A_915, %add3A_922, %add3A_929, %add3A_936, %add3A_943, %add3A_950, %add3A_957, %add3A_964 : vector<16xf32>, vector<16xf32>, vector<16xf32>, vector<16xf32>, vector<16xf32>, vector<16xf32>, vector<16xf32>, vector<16xf32>
      }
      %scan3A_60 = arith.constant 10 : i32
      %mul3A_61 = arith.constant 2.000000e-02 : f32
      %mul3A_62 = vector.broadcast %mul3A_61 : f32 to vector<16xf32>
      %mul3A_63 = arith.mulf %scan3A_59#0, %mul3A_62 : vector<16xf32>
      %mul3A_64 = arith.constant 2 : i32
      %mul3A_65 = arith.muli %mul3A_64, %add3A_29 : i32
      %add3A_66 = arith.constant 0 : i32
      %add3A_67 = arith.addi %mul3A_65, %add3A_66 : i32
      %mul3A_68 = arith.constant 64 : i32
      %mul3A_69 = arith.muli %add3A_67, %mul3A_68 : i32
      %add3A_70 = arith.constant 0 : i32
      %add3A_71 = arith.addi %mul3A_69, %add3A_70 : i32
      %swap3A = arith.index_cast %add3A_71 : i32 to index
      %swap3A_72 = tpu.vector_load %arg10[%swap3A] {strides = array<i32>} : memref<32768xf32, #tpu.memory_space<vmem>>, vector<16xf32>,
      %swap3A_73 = vector.shape_cast %swap3A_72 : vector<16xf32> to vector<16xf32>
      %swap3A_74 = vector.shape_cast %mul3A_63 : vector<16xf32> to vector<16xf32>
      tpu.vector_store %arg10[%swap3A], %swap3A_74 {strides = array<i32>} : memref<32768xf32, #tpu.memory_space<vmem>>, vector<16xf32>,
      %mul3A_75 = arith.constant 2.000000e-02 : f32
      %mul3A_76 = vector.broadcast %mul3A_75 : f32 to vector<16xf32>
      %mul3A_77 = arith.mulf %scan3A_59#1, %mul3A_76 : vector<16xf32>
      %mul3A_78 = arith.constant 2 : i32
      %mul3A_79 = arith.muli %mul3A_78, %add3A_29 : i32
      %add3A_80 = arith.constant 0 : i32
      %add3A_81 = arith.addi %mul3A_79, %add3A_80 : i32
      %mul3A_82 = arith.constant 64 : i32
      %mul3A_83 = arith.muli %add3A_81, %mul3A_82 : i32
      %add3A_84 = arith.constant 16 : i32
      %add3A_85 = arith.addi %mul3A_83, %add3A_84 : i32
      %swap3A_86 = arith.index_cast %add3A_85 : i32 to index
      %swap3A_87 = tpu.vector_load %arg10[%swap3A_86] {strides = array<i32>} : memref<32768xf32, #tpu.memory_space<vmem>>, vector<16xf32>,
      %swap3A_88 = vector.shape_cast %swap3A_87 : vector<16xf32> to vector<16xf32>
      %swap3A_89 = vector.shape_cast %mul3A_77 : vector<16xf32> to vector<16xf32>
      tpu.vector_store %arg10[%swap3A_86], %swap3A_89 {strides = array<i32>} : memref<32768xf32, #tpu.memory_space<vmem>>, vector<16xf32>,
      %mul3A_90 = arith.constant 2.000000e-02 : f32
      %mul3A_91 = vector.broadcast %mul3A_90 : f32 to vector<16xf32>
      %mul3A_92 = arith.mulf %scan3A_59#2, %mul3A_91 : vector<16xf32>
      %mul3A_93 = arith.constant 2 : i32
      %mul3A_94 = arith.muli %mul3A_93, %add3A_29 : i32
      %add3A_95 = arith.constant 0 : i32
      %add3A_96 = arith.addi %mul3A_94, %add3A_95 : i32
      %mul3A_97 = arith.constant 64 : i32
      %mul3A_98 = arith.muli %add3A_96, %mul3A_97 : i32
      %add3A_99 = arith.constant 32 : i32
      %add3A_100 = arith.addi %mul3A_98, %add3A_99 : i32
      %swap3A_101 = arith.index_cast %add3A_100 : i32 to index
      %swap3A_102 = tpu.vector_load %arg10[%swap3A_101] {strides = array<i32>} : memref<32768xf32, #tpu.memory_space<vmem>>, vector<16xf32>,
      %swap3A_103 = vector.shape_cast %swap3A_102 : vector<16xf32> to vector<16xf32>
      %swap3A_104 = vector.shape_cast %mul3A_92 : vector<16xf32> to vector<16xf32>
      tpu.vector_store %arg10[%swap3A_101], %swap3A_104 {strides = array<i32>} : memref<32768xf32, #tpu.memory_space<vmem>>, vector<16xf32>,
      %mul3A_105 = arith.constant 2.000000e-02 : f32
      %mul3A_106 = vector.broadcast %mul3A_105 : f32 to vector<16xf32>
      %mul3A_107 = arith.mulf %scan3A_59#3, %mul3A_106 : vector<16xf32>
      %mul3A_108 = arith.constant 2 : i32
      %mul3A_109 = arith.muli %mul3A_108, %add3A_29 : i32
      %add3A_110 = arith.constant 0 : i32
      %add3A_111 = arith.addi %mul3A_109, %add3A_110 : i32
      %mul3A_112 = arith.constant 64 : i32
      %mul3A_113 = arith.muli %add3A_111, %mul3A_112 : i32
      %add3A_114 = arith.constant 48 : i32
      %add3A_115 = arith.addi %mul3A_113, %add3A_114 : i32
      %swap3A_116 = arith.index_cast %add3A_115 : i32 to index
      %swap3A_117 = tpu.vector_load %arg10[%swap3A_116] {strides = array<i32>} : memref<32768xf32, #tpu.memory_space<vmem>>, vector<16xf32>,
      %swap3A_118 = vector.shape_cast %swap3A_117 : vector<16xf32> to vector<16xf32>
      %swap3A_119 = vector.shape_cast %mul3A_107 : vector<16xf32> to vector<16xf32>
      tpu.vector_store %arg10[%swap3A_116], %swap3A_119 {strides = array<i32>} : memref<32768xf32, #tpu.memory_space<vmem>>, vector<16xf32>,
      %mul3A_120 = arith.constant 2.000000e-02 : f32
      %mul3A_121 = vector.broadcast %mul3A_120 : f32 to vector<16xf32>
      %mul3A_122 = arith.mulf %scan3A_59#4, %mul3A_121 : vector<16xf32>
      %mul3A_123 = arith.constant 2 : i32
      %mul3A_124 = arith.muli %mul3A_123, %add3A_29 : i32
      %add3A_125 = arith.constant 1 : i32
      %add3A_126 = arith.addi %mul3A_124, %add3A_125 : i32
      %mul3A_127 = arith.constant 64 : i32
      %mul3A_128 = arith.muli %add3A_126, %mul3A_127 : i32
      %add3A_129 = arith.constant 0 : i32
      %add3A_130 = arith.addi %mul3A_128, %add3A_129 : i32
      %swap3A_131 = arith.index_cast %add3A_130 : i32 to index
      %swap3A_132 = tpu.vector_load %arg10[%swap3A_131] {strides = array<i32>} : memref<32768xf32, #tpu.memory_space<vmem>>, vector<16xf32>,
      %swap3A_133 = vector.shape_cast %swap3A_132 : vector<16xf32> to vector<16xf32>
      %swap3A_134 = vector.shape_cast %mul3A_122 : vector<16xf32> to vector<16xf32>
      tpu.vector_store %arg10[%swap3A_131], %swap3A_134 {strides = array<i32>} : memref<32768xf32, #tpu.memory_space<vmem>>, vector<16xf32>,
      %mul3A_135 = arith.constant 2.000000e-02 : f32
      %mul3A_136 = vector.broadcast %mul3A_135 : f32 to vector<16xf32>
      %mul3A_137 = arith.mulf %scan3A_59#5, %mul3A_136 : vector<16xf32>
      %mul3A_138 = arith.constant 2 : i32
      %mul3A_139 = arith.muli %mul3A_138, %add3A_29 : i32
      %add3A_140 = arith.constant 1 : i32
      %add3A_141 = arith.addi %mul3A_139, %add3A_140 : i32
      %mul3A_142 = arith.constant 64 : i32
      %mul3A_143 = arith.muli %add3A_141, %mul3A_142 : i32
      %add3A_144 = arith.constant 16 : i32
      %add3A_145 = arith.addi %mul3A_143, %add3A_144 : i32
      %swap3A_146 = arith.index_cast %add3A_145 : i32 to index
      %swap3A_147 = tpu.vector_load %arg10[%swap3A_146] {strides = array<i32>} : memref<32768xf32, #tpu.memory_space<vmem>>, vector<16xf32>,
      %swap3A_148 = vector.shape_cast %swap3A_147 : vector<16xf32> to vector<16xf32>
      %swap3A_149 = vector.shape_cast %mul3A_137 : vector<16xf32> to vector<16xf32>
      tpu.vector_store %arg10[%swap3A_146], %swap3A_149 {strides = array<i32>} : memref<32768xf32, #tpu.memory_space<vmem>>, vector<16xf32>,
      %mul3A_150 = arith.constant 2.000000e-02 : f32
      %mul3A_151 = vector.broadcast %mul3A_150 : f32 to vector<16xf32>
      %mul3A_152 = arith.mulf %scan3A_59#6, %mul3A_151 : vector<16xf32>
      %mul3A_153 = arith.constant 2 : i32
      %mul3A_154 = arith.muli %mul3A_153, %add3A_29 : i32
      %add3A_155 = arith.constant 1 : i32
      %add3A_156 = arith.addi %mul3A_154, %add3A_155 : i32
      %mul3A_157 = arith.constant 64 : i32
      %mul3A_158 = arith.muli %add3A_156, %mul3A_157 : i32
      %add3A_159 = arith.constant 32 : i32
      %add3A_160 = arith.addi %mul3A_158, %add3A_159 : i32
      %swap3A_161 = arith.index_cast %add3A_160 : i32 to index
      %swap3A_162 = tpu.vector_load %arg10[%swap3A_161] {strides = array<i32>} : memref<32768xf32, #tpu.memory_space<vmem>>, vector<16xf32>,
      %swap3A_163 = vector.shape_cast %swap3A_162 : vector<16xf32> to vector<16xf32>
      %swap3A_164 = vector.shape_cast %mul3A_152 : vector<16xf32> to vector<16xf32>
      tpu.vector_store %arg10[%swap3A_161], %swap3A_164 {strides = array<i32>} : memref<32768xf32, #tpu.memory_space<vmem>>, vector<16xf32>,
      %mul3A_165 = arith.constant 2.000000e-02 : f32
      %mul3A_166 = vector.broadcast %mul3A_165 : f32 to vector<16xf32>
      %mul3A_167 = arith.mulf %scan3A_59#7, %mul3A_166 : vector<16xf32>
      %mul3A_168 = arith.constant 2 : i32
      %mul3A_169 = arith.muli %mul3A_168, %add3A_29 : i32
      %add3A_170 = arith.constant 1 : i32
      %add3A_171 = arith.addi %mul3A_169, %add3A_170 : i32
      %mul3A_172 = arith.constant 64 : i32
      %mul3A_173 = arith.muli %add3A_171, %mul3A_172 : i32
      %add3A_174 = arith.constant 48 : i32
      %add3A_175 = arith.addi %mul3A_173, %add3A_174 : i32
      %swap3A_176 = arith.index_cast %add3A_175 : i32 to index
      %swap3A_177 = tpu.vector_load %arg10[%swap3A_176] {strides = array<i32>} : memref<32768xf32, #tpu.memory_space<vmem>>, vector<16xf32>,
      %swap3A_178 = vector.shape_cast %swap3A_177 : vector<16xf32> to vector<16xf32>
      %swap3A_179 = vector.shape_cast %mul3A_167 : vector<16xf32> to vector<16xf32>
      tpu.vector_store %arg10[%swap3A_176], %swap3A_179 {strides = array<i32>} : memref<32768xf32, #tpu.memory_space<vmem>>, vector<16xf32>,
      %add3A_180 = arith.constant 1 : i32
      %add3A_181 = arith.addi %add3A_27, %add3A_180 : i32
      %add3A_182 = arith.constant 4 : i32
      %add3A_183 = arith.addi %add3A_181, %add3A_182 : i32
      %sub3A_184 = arith.constant 1 : i32
      %sub3A_185 = arith.subi %add3A_183, %sub3A_184 : i32
      %lt3A_186 = arith.constant 256 : i32
      %lt3A_187 = arith.cmpi slt, %sub3A_185, %lt3A_186 : i32
      %convert_element_type3A_188 = arith.extui %lt3A_187 : i1 to i32
      %cond3A_189 = arith.constant 0 : i32
      %cond3A_190 = arith.cmpi ne, %convert_element_type3A_188, %cond3A_189 : i32
      scf.if %cond3A_190 {
        %add3A_657 = arith.constant 4 : i32
        %add3A_658 = arith.addi %add3A_181, %add3A_657 : i32
        %sub3A_659 = arith.constant 1 : i32
        %sub3A_660 = arith.subi %add3A_658, %sub3A_659 : i32
        %mul3A_661 = arith.constant 104 : i32
        %mul3A_662 = arith.muli %sub3A_660, %mul3A_661 : i32
        %dma_start3A_663 = tpu.memref_slice %arg5[%mul3A_662] : memref<26624xi32, #tpu.memory_space<vmem>> -> memref<100xi32, #tpu.memory_space<vmem>>
        %dma_start3A_664 = arith.constant 0 : i32
        %dma_start3A_665 = arith.constant 0 : i32
        %dma_start3A_666 = tpu.memref_slice %arg3[%dma_start3A_664, %dma_start3A_665] : memref<1015808x128xf32, #tpu.memory_space<hbm>> -> memref<1015808x128xf32, #tpu.memory_space<hbm>>
        tpu.enqueue_indirect_dma source(%dma_start3A_666 : memref<1015808x128xf32, #tpu.memory_space<hbm>>) target(%arg6 : memref<100x128xf32, #tpu.memory_space<vmem>>) offsets(%dma_start3A_663 : memref<100xi32, #tpu.memory_space<vmem>>) semaphore(%arg11 : memref<!tpu.dma_semaphore, #tpu.memory_space<semaphore_mem>>)
      } else {
      }
      %mul3A_191 = arith.constant 104 : i32
      %mul3A_192 = arith.muli %add3A_181, %mul3A_191 : i32
      %dma_wait3A_193 = tpu.memref_slice %arg5[%mul3A_192] : memref<26624xi32, #tpu.memory_space<vmem>> -> memref<100xi32, #tpu.memory_space<vmem>>
      %dma_wait3A_194 = arith.constant 0 : i32
      %dma_wait3A_195 = arith.constant 0 : i32
      %dma_wait3A_196 = tpu.memref_slice %arg3[%dma_wait3A_194, %dma_wait3A_195] : memref<1015808x128xf32, #tpu.memory_space<hbm>> -> memref<1015808x128xf32, #tpu.memory_space<hbm>>
      tpu.wait_indirect_dma semaphore(%arg12 : memref<!tpu.dma_semaphore, #tpu.memory_space<semaphore_mem>>) src(%dma_wait3A_196 : memref<1015808x128xf32, #tpu.memory_space<hbm>>) dst(%arg7 : memref<100x128xf32, #tpu.memory_space<vmem>>)
      %broadcast_in_dim3A_197 = arith.constant 0.000000e+00 : f32
      %broadcast_in_dim3A_198 = vector.broadcast %broadcast_in_dim3A_197 : f32 to vector<16xf32>
      %broadcast_in_dim3A_199 = arith.constant 0.000000e+00 : f32
      %broadcast_in_dim3A_200 = vector.broadcast %broadcast_in_dim3A_199 : f32 to vector<16xf32>
      %broadcast_in_dim3A_201 = arith.constant 0.000000e+00 : f32
      %broadcast_in_dim3A_202 = vector.broadcast %broadcast_in_dim3A_201 : f32 to vector<16xf32>
      %broadcast_in_dim3A_203 = arith.constant 0.000000e+00 : f32
      %broadcast_in_dim3A_204 = vector.broadcast %broadcast_in_dim3A_203 : f32 to vector<16xf32>
      %broadcast_in_dim3A_205 = arith.constant 0.000000e+00 : f32
      %broadcast_in_dim3A_206 = vector.broadcast %broadcast_in_dim3A_205 : f32 to vector<16xf32>
      %broadcast_in_dim3A_207 = arith.constant 0.000000e+00 : f32
      %broadcast_in_dim3A_208 = vector.broadcast %broadcast_in_dim3A_207 : f32 to vector<16xf32>
      %broadcast_in_dim3A_209 = arith.constant 0.000000e+00 : f32
      %broadcast_in_dim3A_210 = vector.broadcast %broadcast_in_dim3A_209 : f32 to vector<16xf32>
      %broadcast_in_dim3A_211 = arith.constant 0.000000e+00 : f32
      %broadcast_in_dim3A_212 = vector.broadcast %broadcast_in_dim3A_211 : f32 to vector<16xf32>
      %scan3A_213 = arith.constant 0 : i32
      %scan3A_214 = arith.constant 10 : i32
      %scan3A_215 = arith.addi %scan3A_213, %scan3A_214 : i32
      %scan3A_216 = arith.constant 1 : i32
      %scan3A_217:8 = scf.for %scan3A_657 = %scan3A_213 to %scan3A_215 step %scan3A_216 iter_args(%scan3A_658 = %broadcast_in_dim3A_198, %scan3A_659 = %broadcast_in_dim3A_200, %scan3A_660 = %broadcast_in_dim3A_202, %scan3A_661 = %broadcast_in_dim3A_204, %scan3A_662 = %broadcast_in_dim3A_206, %scan3A_663 = %broadcast_in_dim3A_208, %scan3A_664 = %broadcast_in_dim3A_210, %scan3A_665 = %broadcast_in_dim3A_212) -> (vector<16xf32>, vector<16xf32>, vector<16xf32>, vector<16xf32>, vector<16xf32>, vector<16xf32>, vector<16xf32>, vector<16xf32>)  : i32 {
        %mul3A_666 = arith.constant 5 : i32
        %mul3A_667 = arith.muli %scan3A_657, %mul3A_666 : i32
        %add3A_668 = arith.constant 0 : i32
        %add3A_669 = arith.addi %mul3A_667, %add3A_668 : i32
        %add3A_670 = arith.constant 0 : i32
        %add3A_671 = arith.addi %add3A_670, %add3A_669 : i32
        %get3A = arith.index_cast %add3A_671 : i32 to index
        %get3A_672 = arith.constant 0 : index
        %get3A_673 = tpu.vector_load %arg7[%get3A, %get3A_672] {strides = array<i32>} : memref<100x128xf32, #tpu.memory_space<vmem>>, vector<1x16xf32>,
        %get3A_674 = vector.shape_cast %get3A_673 : vector<1x16xf32> to vector<16xf32>
        %add3A_675 = arith.addf %scan3A_658, %get3A_674 : vector<16xf32>
        %add3A_676 = arith.constant 0 : i32
        %add3A_677 = arith.addi %add3A_676, %add3A_669 : i32
        %get3A_678 = arith.index_cast %add3A_677 : i32 to index
        %get3A_679 = arith.constant 16 : index
        %get3A_680 = tpu.vector_load %arg7[%get3A_678, %get3A_679] {strides = array<i32>} : memref<100x128xf32, #tpu.memory_space<vmem>>, vector<1x16xf32>,
        %get3A_681 = vector.shape_cast %get3A_680 : vector<1x16xf32> to vector<16xf32>
        %add3A_682 = arith.addf %scan3A_659, %get3A_681 : vector<16xf32>
        %add3A_683 = arith.constant 0 : i32
        %add3A_684 = arith.addi %add3A_683, %add3A_669 : i32
        %get3A_685 = arith.index_cast %add3A_684 : i32 to index
        %get3A_686 = arith.constant 32 : index
        %get3A_687 = tpu.vector_load %arg7[%get3A_685, %get3A_686] {strides = array<i32>} : memref<100x128xf32, #tpu.memory_space<vmem>>, vector<1x16xf32>,
        %get3A_688 = vector.shape_cast %get3A_687 : vector<1x16xf32> to vector<16xf32>
        %add3A_689 = arith.addf %scan3A_660, %get3A_688 : vector<16xf32>
        %add3A_690 = arith.constant 0 : i32
        %add3A_691 = arith.addi %add3A_690, %add3A_669 : i32
        %get3A_692 = arith.index_cast %add3A_691 : i32 to index
        %get3A_693 = arith.constant 48 : index
        %get3A_694 = tpu.vector_load %arg7[%get3A_692, %get3A_693] {strides = array<i32>} : memref<100x128xf32, #tpu.memory_space<vmem>>, vector<1x16xf32>,
        %get3A_695 = vector.shape_cast %get3A_694 : vector<1x16xf32> to vector<16xf32>
        %add3A_696 = arith.addf %scan3A_661, %get3A_695 : vector<16xf32>
        %add3A_697 = arith.constant 50 : i32
        %add3A_698 = arith.addi %add3A_697, %add3A_669 : i32
        %get3A_699 = arith.index_cast %add3A_698 : i32 to index
        %get3A_700 = arith.constant 0 : index
        %get3A_701 = tpu.vector_load %arg7[%get3A_699, %get3A_700] {strides = array<i32>} : memref<100x128xf32, #tpu.memory_space<vmem>>, vector<1x16xf32>,
        %get3A_702 = vector.shape_cast %get3A_701 : vector<1x16xf32> to vector<16xf32>
        %add3A_703 = arith.addf %scan3A_662, %get3A_702 : vector<16xf32>
        %add3A_704 = arith.constant 50 : i32
        %add3A_705 = arith.addi %add3A_704, %add3A_669 : i32
        %get3A_706 = arith.index_cast %add3A_705 : i32 to index
        %get3A_707 = arith.constant 16 : index
        %get3A_708 = tpu.vector_load %arg7[%get3A_706, %get3A_707] {strides = array<i32>} : memref<100x128xf32, #tpu.memory_space<vmem>>, vector<1x16xf32>,
        %get3A_709 = vector.shape_cast %get3A_708 : vector<1x16xf32> to vector<16xf32>
        %add3A_710 = arith.addf %scan3A_663, %get3A_709 : vector<16xf32>
        %add3A_711 = arith.constant 50 : i32
        %add3A_712 = arith.addi %add3A_711, %add3A_669 : i32
        %get3A_713 = arith.index_cast %add3A_712 : i32 to index
        %get3A_714 = arith.constant 32 : index
        %get3A_715 = tpu.vector_load %arg7[%get3A_713, %get3A_714] {strides = array<i32>} : memref<100x128xf32, #tpu.memory_space<vmem>>, vector<1x16xf32>,
        %get3A_716 = vector.shape_cast %get3A_715 : vector<1x16xf32> to vector<16xf32>
        %add3A_717 = arith.addf %scan3A_664, %get3A_716 : vector<16xf32>
        %add3A_718 = arith.constant 50 : i32
        %add3A_719 = arith.addi %add3A_718, %add3A_669 : i32
        %get3A_720 = arith.index_cast %add3A_719 : i32 to index
        %get3A_721 = arith.constant 48 : index
        %get3A_722 = tpu.vector_load %arg7[%get3A_720, %get3A_721] {strides = array<i32>} : memref<100x128xf32, #tpu.memory_space<vmem>>, vector<1x16xf32>,
        %get3A_723 = vector.shape_cast %get3A_722 : vector<1x16xf32> to vector<16xf32>
        %add3A_724 = arith.addf %scan3A_665, %get3A_723 : vector<16xf32>
        %mul3A_725 = arith.constant 5 : i32
        %mul3A_726 = arith.muli %scan3A_657, %mul3A_725 : i32
        %add3A_727 = arith.constant 1 : i32
        %add3A_728 = arith.addi %mul3A_726, %add3A_727 : i32
        %add3A_729 = arith.constant 0 : i32
        %add3A_730 = arith.addi %add3A_729, %add3A_728 : i32
        %get3A_731 = arith.index_cast %add3A_730 : i32 to index
        %get3A_732 = arith.constant 0 : index
        %get3A_733 = tpu.vector_load %arg7[%get3A_731, %get3A_732] {strides = array<i32>} : memref<100x128xf32, #tpu.memory_space<vmem>>, vector<1x16xf32>,
        %get3A_734 = vector.shape_cast %get3A_733 : vector<1x16xf32> to vector<16xf32>
        %add3A_735 = arith.addf %add3A_675, %get3A_734 : vector<16xf32>
        %add3A_736 = arith.constant 0 : i32
        %add3A_737 = arith.addi %add3A_736, %add3A_728 : i32
        %get3A_738 = arith.index_cast %add3A_737 : i32 to index
        %get3A_739 = arith.constant 16 : index
        %get3A_740 = tpu.vector_load %arg7[%get3A_738, %get3A_739] {strides = array<i32>} : memref<100x128xf32, #tpu.memory_space<vmem>>, vector<1x16xf32>,
        %get3A_741 = vector.shape_cast %get3A_740 : vector<1x16xf32> to vector<16xf32>
        %add3A_742 = arith.addf %add3A_682, %get3A_741 : vector<16xf32>
        %add3A_743 = arith.constant 0 : i32
        %add3A_744 = arith.addi %add3A_743, %add3A_728 : i32
        %get3A_745 = arith.index_cast %add3A_744 : i32 to index
        %get3A_746 = arith.constant 32 : index
        %get3A_747 = tpu.vector_load %arg7[%get3A_745, %get3A_746] {strides = array<i32>} : memref<100x128xf32, #tpu.memory_space<vmem>>, vector<1x16xf32>,
        %get3A_748 = vector.shape_cast %get3A_747 : vector<1x16xf32> to vector<16xf32>
        %add3A_749 = arith.addf %add3A_689, %get3A_748 : vector<16xf32>
        %add3A_750 = arith.constant 0 : i32
        %add3A_751 = arith.addi %add3A_750, %add3A_728 : i32
        %get3A_752 = arith.index_cast %add3A_751 : i32 to index
        %get3A_753 = arith.constant 48 : index
        %get3A_754 = tpu.vector_load %arg7[%get3A_752, %get3A_753] {strides = array<i32>} : memref<100x128xf32, #tpu.memory_space<vmem>>, vector<1x16xf32>,
        %get3A_755 = vector.shape_cast %get3A_754 : vector<1x16xf32> to vector<16xf32>
        %add3A_756 = arith.addf %add3A_696, %get3A_755 : vector<16xf32>
        %add3A_757 = arith.constant 50 : i32
        %add3A_758 = arith.addi %add3A_757, %add3A_728 : i32
        %get3A_759 = arith.index_cast %add3A_758 : i32 to index
        %get3A_760 = arith.constant 0 : index
        %get3A_761 = tpu.vector_load %arg7[%get3A_759, %get3A_760] {strides = array<i32>} : memref<100x128xf32, #tpu.memory_space<vmem>>, vector<1x16xf32>,
        %get3A_762 = vector.shape_cast %get3A_761 : vector<1x16xf32> to vector<16xf32>
        %add3A_763 = arith.addf %add3A_703, %get3A_762 : vector<16xf32>
        %add3A_764 = arith.constant 50 : i32
        %add3A_765 = arith.addi %add3A_764, %add3A_728 : i32
        %get3A_766 = arith.index_cast %add3A_765 : i32 to index
        %get3A_767 = arith.constant 16 : index
        %get3A_768 = tpu.vector_load %arg7[%get3A_766, %get3A_767] {strides = array<i32>} : memref<100x128xf32, #tpu.memory_space<vmem>>, vector<1x16xf32>,
        %get3A_769 = vector.shape_cast %get3A_768 : vector<1x16xf32> to vector<16xf32>
        %add3A_770 = arith.addf %add3A_710, %get3A_769 : vector<16xf32>
        %add3A_771 = arith.constant 50 : i32
        %add3A_772 = arith.addi %add3A_771, %add3A_728 : i32
        %get3A_773 = arith.index_cast %add3A_772 : i32 to index
        %get3A_774 = arith.constant 32 : index
        %get3A_775 = tpu.vector_load %arg7[%get3A_773, %get3A_774] {strides = array<i32>} : memref<100x128xf32, #tpu.memory_space<vmem>>, vector<1x16xf32>,
        %get3A_776 = vector.shape_cast %get3A_775 : vector<1x16xf32> to vector<16xf32>
        %add3A_777 = arith.addf %add3A_717, %get3A_776 : vector<16xf32>
        %add3A_778 = arith.constant 50 : i32
        %add3A_779 = arith.addi %add3A_778, %add3A_728 : i32
        %get3A_780 = arith.index_cast %add3A_779 : i32 to index
        %get3A_781 = arith.constant 48 : index
        %get3A_782 = tpu.vector_load %arg7[%get3A_780, %get3A_781] {strides = array<i32>} : memref<100x128xf32, #tpu.memory_space<vmem>>, vector<1x16xf32>,
        %get3A_783 = vector.shape_cast %get3A_782 : vector<1x16xf32> to vector<16xf32>
        %add3A_784 = arith.addf %add3A_724, %get3A_783 : vector<16xf32>
        %mul3A_785 = arith.constant 5 : i32
        %mul3A_786 = arith.muli %scan3A_657, %mul3A_785 : i32
        %add3A_787 = arith.constant 2 : i32
        %add3A_788 = arith.addi %mul3A_786, %add3A_787 : i32
        %add3A_789 = arith.constant 0 : i32
        %add3A_790 = arith.addi %add3A_789, %add3A_788 : i32
        %get3A_791 = arith.index_cast %add3A_790 : i32 to index
        %get3A_792 = arith.constant 0 : index
        %get3A_793 = tpu.vector_load %arg7[%get3A_791, %get3A_792] {strides = array<i32>} : memref<100x128xf32, #tpu.memory_space<vmem>>, vector<1x16xf32>,
        %get3A_794 = vector.shape_cast %get3A_793 : vector<1x16xf32> to vector<16xf32>
        %add3A_795 = arith.addf %add3A_735, %get3A_794 : vector<16xf32>
        %add3A_796 = arith.constant 0 : i32
        %add3A_797 = arith.addi %add3A_796, %add3A_788 : i32
        %get3A_798 = arith.index_cast %add3A_797 : i32 to index
        %get3A_799 = arith.constant 16 : index
        %get3A_800 = tpu.vector_load %arg7[%get3A_798, %get3A_799] {strides = array<i32>} : memref<100x128xf32, #tpu.memory_space<vmem>>, vector<1x16xf32>,
        %get3A_801 = vector.shape_cast %get3A_800 : vector<1x16xf32> to vector<16xf32>
        %add3A_802 = arith.addf %add3A_742, %get3A_801 : vector<16xf32>
        %add3A_803 = arith.constant 0 : i32
        %add3A_804 = arith.addi %add3A_803, %add3A_788 : i32
        %get3A_805 = arith.index_cast %add3A_804 : i32 to index
        %get3A_806 = arith.constant 32 : index
        %get3A_807 = tpu.vector_load %arg7[%get3A_805, %get3A_806] {strides = array<i32>} : memref<100x128xf32, #tpu.memory_space<vmem>>, vector<1x16xf32>,
        %get3A_808 = vector.shape_cast %get3A_807 : vector<1x16xf32> to vector<16xf32>
        %add3A_809 = arith.addf %add3A_749, %get3A_808 : vector<16xf32>
        %add3A_810 = arith.constant 0 : i32
        %add3A_811 = arith.addi %add3A_810, %add3A_788 : i32
        %get3A_812 = arith.index_cast %add3A_811 : i32 to index
        %get3A_813 = arith.constant 48 : index
        %get3A_814 = tpu.vector_load %arg7[%get3A_812, %get3A_813] {strides = array<i32>} : memref<100x128xf32, #tpu.memory_space<vmem>>, vector<1x16xf32>,
        %get3A_815 = vector.shape_cast %get3A_814 : vector<1x16xf32> to vector<16xf32>
        %add3A_816 = arith.addf %add3A_756, %get3A_815 : vector<16xf32>
        %add3A_817 = arith.constant 50 : i32
        %add3A_818 = arith.addi %add3A_817, %add3A_788 : i32
        %get3A_819 = arith.index_cast %add3A_818 : i32 to index
        %get3A_820 = arith.constant 0 : index
        %get3A_821 = tpu.vector_load %arg7[%get3A_819, %get3A_820] {strides = array<i32>} : memref<100x128xf32, #tpu.memory_space<vmem>>, vector<1x16xf32>,
        %get3A_822 = vector.shape_cast %get3A_821 : vector<1x16xf32> to vector<16xf32>
        %add3A_823 = arith.addf %add3A_763, %get3A_822 : vector<16xf32>
        %add3A_824 = arith.constant 50 : i32
        %add3A_825 = arith.addi %add3A_824, %add3A_788 : i32
        %get3A_826 = arith.index_cast %add3A_825 : i32 to index
        %get3A_827 = arith.constant 16 : index
        %get3A_828 = tpu.vector_load %arg7[%get3A_826, %get3A_827] {strides = array<i32>} : memref<100x128xf32, #tpu.memory_space<vmem>>, vector<1x16xf32>,
        %get3A_829 = vector.shape_cast %get3A_828 : vector<1x16xf32> to vector<16xf32>
        %add3A_830 = arith.addf %add3A_770, %get3A_829 : vector<16xf32>
        %add3A_831 = arith.constant 50 : i32
        %add3A_832 = arith.addi %add3A_831, %add3A_788 : i32
        %get3A_833 = arith.index_cast %add3A_832 : i32 to index
        %get3A_834 = arith.constant 32 : index
        %get3A_835 = tpu.vector_load %arg7[%get3A_833, %get3A_834] {strides = array<i32>} : memref<100x128xf32, #tpu.memory_space<vmem>>, vector<1x16xf32>,
        %get3A_836 = vector.shape_cast %get3A_835 : vector<1x16xf32> to vector<16xf32>
        %add3A_837 = arith.addf %add3A_777, %get3A_836 : vector<16xf32>
        %add3A_838 = arith.constant 50 : i32
        %add3A_839 = arith.addi %add3A_838, %add3A_788 : i32
        %get3A_840 = arith.index_cast %add3A_839 : i32 to index
        %get3A_841 = arith.constant 48 : index
        %get3A_842 = tpu.vector_load %arg7[%get3A_840, %get3A_841] {strides = array<i32>} : memref<100x128xf32, #tpu.memory_space<vmem>>, vector<1x16xf32>,
        %get3A_843 = vector.shape_cast %get3A_842 : vector<1x16xf32> to vector<16xf32>
        %add3A_844 = arith.addf %add3A_784, %get3A_843 : vector<16xf32>
        %mul3A_845 = arith.constant 5 : i32
        %mul3A_846 = arith.muli %scan3A_657, %mul3A_845 : i32
        %add3A_847 = arith.constant 3 : i32
        %add3A_848 = arith.addi %mul3A_846, %add3A_847 : i32
        %add3A_849 = arith.constant 0 : i32
        %add3A_850 = arith.addi %add3A_849, %add3A_848 : i32
        %get3A_851 = arith.index_cast %add3A_850 : i32 to index
        %get3A_852 = arith.constant 0 : index
        %get3A_853 = tpu.vector_load %arg7[%get3A_851, %get3A_852] {strides = array<i32>} : memref<100x128xf32, #tpu.memory_space<vmem>>, vector<1x16xf32>,
        %get3A_854 = vector.shape_cast %get3A_853 : vector<1x16xf32> to vector<16xf32>
        %add3A_855 = arith.addf %add3A_795, %get3A_854 : vector<16xf32>
        %add3A_856 = arith.constant 0 : i32
        %add3A_857 = arith.addi %add3A_856, %add3A_848 : i32
        %get3A_858 = arith.index_cast %add3A_857 : i32 to index
        %get3A_859 = arith.constant 16 : index
        %get3A_860 = tpu.vector_load %arg7[%get3A_858, %get3A_859] {strides = array<i32>} : memref<100x128xf32, #tpu.memory_space<vmem>>, vector<1x16xf32>,
        %get3A_861 = vector.shape_cast %get3A_860 : vector<1x16xf32> to vector<16xf32>
        %add3A_862 = arith.addf %add3A_802, %get3A_861 : vector<16xf32>
        %add3A_863 = arith.constant 0 : i32
        %add3A_864 = arith.addi %add3A_863, %add3A_848 : i32
        %get3A_865 = arith.index_cast %add3A_864 : i32 to index
        %get3A_866 = arith.constant 32 : index
        %get3A_867 = tpu.vector_load %arg7[%get3A_865, %get3A_866] {strides = array<i32>} : memref<100x128xf32, #tpu.memory_space<vmem>>, vector<1x16xf32>,
        %get3A_868 = vector.shape_cast %get3A_867 : vector<1x16xf32> to vector<16xf32>
        %add3A_869 = arith.addf %add3A_809, %get3A_868 : vector<16xf32>
        %add3A_870 = arith.constant 0 : i32
        %add3A_871 = arith.addi %add3A_870, %add3A_848 : i32
        %get3A_872 = arith.index_cast %add3A_871 : i32 to index
        %get3A_873 = arith.constant 48 : index
        %get3A_874 = tpu.vector_load %arg7[%get3A_872, %get3A_873] {strides = array<i32>} : memref<100x128xf32, #tpu.memory_space<vmem>>, vector<1x16xf32>,
        %get3A_875 = vector.shape_cast %get3A_874 : vector<1x16xf32> to vector<16xf32>
        %add3A_876 = arith.addf %add3A_816, %get3A_875 : vector<16xf32>
        %add3A_877 = arith.constant 50 : i32
        %add3A_878 = arith.addi %add3A_877, %add3A_848 : i32
        %get3A_879 = arith.index_cast %add3A_878 : i32 to index
        %get3A_880 = arith.constant 0 : index
        %get3A_881 = tpu.vector_load %arg7[%get3A_879, %get3A_880] {strides = array<i32>} : memref<100x128xf32, #tpu.memory_space<vmem>>, vector<1x16xf32>,
        %get3A_882 = vector.shape_cast %get3A_881 : vector<1x16xf32> to vector<16xf32>
        %add3A_883 = arith.addf %add3A_823, %get3A_882 : vector<16xf32>
        %add3A_884 = arith.constant 50 : i32
        %add3A_885 = arith.addi %add3A_884, %add3A_848 : i32
        %get3A_886 = arith.index_cast %add3A_885 : i32 to index
        %get3A_887 = arith.constant 16 : index
        %get3A_888 = tpu.vector_load %arg7[%get3A_886, %get3A_887] {strides = array<i32>} : memref<100x128xf32, #tpu.memory_space<vmem>>, vector<1x16xf32>,
        %get3A_889 = vector.shape_cast %get3A_888 : vector<1x16xf32> to vector<16xf32>
        %add3A_890 = arith.addf %add3A_830, %get3A_889 : vector<16xf32>
        %add3A_891 = arith.constant 50 : i32
        %add3A_892 = arith.addi %add3A_891, %add3A_848 : i32
        %get3A_893 = arith.index_cast %add3A_892 : i32 to index
        %get3A_894 = arith.constant 32 : index
        %get3A_895 = tpu.vector_load %arg7[%get3A_893, %get3A_894] {strides = array<i32>} : memref<100x128xf32, #tpu.memory_space<vmem>>, vector<1x16xf32>,
        %get3A_896 = vector.shape_cast %get3A_895 : vector<1x16xf32> to vector<16xf32>
        %add3A_897 = arith.addf %add3A_837, %get3A_896 : vector<16xf32>
        %add3A_898 = arith.constant 50 : i32
        %add3A_899 = arith.addi %add3A_898, %add3A_848 : i32
        %get3A_900 = arith.index_cast %add3A_899 : i32 to index
        %get3A_901 = arith.constant 48 : index
        %get3A_902 = tpu.vector_load %arg7[%get3A_900, %get3A_901] {strides = array<i32>} : memref<100x128xf32, #tpu.memory_space<vmem>>, vector<1x16xf32>,
        %get3A_903 = vector.shape_cast %get3A_902 : vector<1x16xf32> to vector<16xf32>
        %add3A_904 = arith.addf %add3A_844, %get3A_903 : vector<16xf32>
        %mul3A_905 = arith.constant 5 : i32
        %mul3A_906 = arith.muli %scan3A_657, %mul3A_905 : i32
        %add3A_907 = arith.constant 4 : i32
        %add3A_908 = arith.addi %mul3A_906, %add3A_907 : i32
        %add3A_909 = arith.constant 0 : i32
        %add3A_910 = arith.addi %add3A_909, %add3A_908 : i32
        %get3A_911 = arith.index_cast %add3A_910 : i32 to index
        %get3A_912 = arith.constant 0 : index
        %get3A_913 = tpu.vector_load %arg7[%get3A_911, %get3A_912] {strides = array<i32>} : memref<100x128xf32, #tpu.memory_space<vmem>>, vector<1x16xf32>,
        %get3A_914 = vector.shape_cast %get3A_913 : vector<1x16xf32> to vector<16xf32>
        %add3A_915 = arith.addf %add3A_855, %get3A_914 : vector<16xf32>
        %add3A_916 = arith.constant 0 : i32
        %add3A_917 = arith.addi %add3A_916, %add3A_908 : i32
        %get3A_918 = arith.index_cast %add3A_917 : i32 to index
        %get3A_919 = arith.constant 16 : index
        %get3A_920 = tpu.vector_load %arg7[%get3A_918, %get3A_919] {strides = array<i32>} : memref<100x128xf32, #tpu.memory_space<vmem>>, vector<1x16xf32>,
        %get3A_921 = vector.shape_cast %get3A_920 : vector<1x16xf32> to vector<16xf32>
        %add3A_922 = arith.addf %add3A_862, %get3A_921 : vector<16xf32>
        %add3A_923 = arith.constant 0 : i32
        %add3A_924 = arith.addi %add3A_923, %add3A_908 : i32
        %get3A_925 = arith.index_cast %add3A_924 : i32 to index
        %get3A_926 = arith.constant 32 : index
        %get3A_927 = tpu.vector_load %arg7[%get3A_925, %get3A_926] {strides = array<i32>} : memref<100x128xf32, #tpu.memory_space<vmem>>, vector<1x16xf32>,
        %get3A_928 = vector.shape_cast %get3A_927 : vector<1x16xf32> to vector<16xf32>
        %add3A_929 = arith.addf %add3A_869, %get3A_928 : vector<16xf32>
        %add3A_930 = arith.constant 0 : i32
        %add3A_931 = arith.addi %add3A_930, %add3A_908 : i32
        %get3A_932 = arith.index_cast %add3A_931 : i32 to index
        %get3A_933 = arith.constant 48 : index
        %get3A_934 = tpu.vector_load %arg7[%get3A_932, %get3A_933] {strides = array<i32>} : memref<100x128xf32, #tpu.memory_space<vmem>>, vector<1x16xf32>,
        %get3A_935 = vector.shape_cast %get3A_934 : vector<1x16xf32> to vector<16xf32>
        %add3A_936 = arith.addf %add3A_876, %get3A_935 : vector<16xf32>
        %add3A_937 = arith.constant 50 : i32
        %add3A_938 = arith.addi %add3A_937, %add3A_908 : i32
        %get3A_939 = arith.index_cast %add3A_938 : i32 to index
        %get3A_940 = arith.constant 0 : index
        %get3A_941 = tpu.vector_load %arg7[%get3A_939, %get3A_940] {strides = array<i32>} : memref<100x128xf32, #tpu.memory_space<vmem>>, vector<1x16xf32>,
        %get3A_942 = vector.shape_cast %get3A_941 : vector<1x16xf32> to vector<16xf32>
        %add3A_943 = arith.addf %add3A_883, %get3A_942 : vector<16xf32>
        %add3A_944 = arith.constant 50 : i32
        %add3A_945 = arith.addi %add3A_944, %add3A_908 : i32
        %get3A_946 = arith.index_cast %add3A_945 : i32 to index
        %get3A_947 = arith.constant 16 : index
        %get3A_948 = tpu.vector_load %arg7[%get3A_946, %get3A_947] {strides = array<i32>} : memref<100x128xf32, #tpu.memory_space<vmem>>, vector<1x16xf32>,
        %get3A_949 = vector.shape_cast %get3A_948 : vector<1x16xf32> to vector<16xf32>
        %add3A_950 = arith.addf %add3A_890, %get3A_949 : vector<16xf32>
        %add3A_951 = arith.constant 50 : i32
        %add3A_952 = arith.addi %add3A_951, %add3A_908 : i32
        %get3A_953 = arith.index_cast %add3A_952 : i32 to index
        %get3A_954 = arith.constant 32 : index
        %get3A_955 = tpu.vector_load %arg7[%get3A_953, %get3A_954] {strides = array<i32>} : memref<100x128xf32, #tpu.memory_space<vmem>>, vector<1x16xf32>,
        %get3A_956 = vector.shape_cast %get3A_955 : vector<1x16xf32> to vector<16xf32>
        %add3A_957 = arith.addf %add3A_897, %get3A_956 : vector<16xf32>
        %add3A_958 = arith.constant 50 : i32
        %add3A_959 = arith.addi %add3A_958, %add3A_908 : i32
        %get3A_960 = arith.index_cast %add3A_959 : i32 to index
        %get3A_961 = arith.constant 48 : index
        %get3A_962 = tpu.vector_load %arg7[%get3A_960, %get3A_961] {strides = array<i32>} : memref<100x128xf32, #tpu.memory_space<vmem>>, vector<1x16xf32>,
        %get3A_963 = vector.shape_cast %get3A_962 : vector<1x16xf32> to vector<16xf32>
        %add3A_964 = arith.addf %add3A_904, %get3A_963 : vector<16xf32>
        scf.yield %add3A_915, %add3A_922, %add3A_929, %add3A_936, %add3A_943, %add3A_950, %add3A_957, %add3A_964 : vector<16xf32>, vector<16xf32>, vector<16xf32>, vector<16xf32>, vector<16xf32>, vector<16xf32>, vector<16xf32>, vector<16xf32>
      }
      %scan3A_218 = arith.constant 10 : i32
      %mul3A_219 = arith.constant 2.000000e-02 : f32
      %mul3A_220 = vector.broadcast %mul3A_219 : f32 to vector<16xf32>
      %mul3A_221 = arith.mulf %scan3A_217#0, %mul3A_220 : vector<16xf32>
      %mul3A_222 = arith.constant 2 : i32
      %mul3A_223 = arith.muli %mul3A_222, %add3A_181 : i32
      %add3A_224 = arith.constant 0 : i32
      %add3A_225 = arith.addi %mul3A_223, %add3A_224 : i32
      %mul3A_226 = arith.constant 64 : i32
      %mul3A_227 = arith.muli %add3A_225, %mul3A_226 : i32
      %add3A_228 = arith.constant 0 : i32
      %add3A_229 = arith.addi %mul3A_227, %add3A_228 : i32
      %swap3A_230 = arith.index_cast %add3A_229 : i32 to index
      %swap3A_231 = tpu.vector_load %arg10[%swap3A_230] {strides = array<i32>} : memref<32768xf32, #tpu.memory_space<vmem>>, vector<16xf32>,
      %swap3A_232 = vector.shape_cast %swap3A_231 : vector<16xf32> to vector<16xf32>
      %swap3A_233 = vector.shape_cast %mul3A_221 : vector<16xf32> to vector<16xf32>
      tpu.vector_store %arg10[%swap3A_230], %swap3A_233 {strides = array<i32>} : memref<32768xf32, #tpu.memory_space<vmem>>, vector<16xf32>,
      %mul3A_234 = arith.constant 2.000000e-02 : f32
      %mul3A_235 = vector.broadcast %mul3A_234 : f32 to vector<16xf32>
      %mul3A_236 = arith.mulf %scan3A_217#1, %mul3A_235 : vector<16xf32>
      %mul3A_237 = arith.constant 2 : i32
      %mul3A_238 = arith.muli %mul3A_237, %add3A_181 : i32
      %add3A_239 = arith.constant 0 : i32
      %add3A_240 = arith.addi %mul3A_238, %add3A_239 : i32
      %mul3A_241 = arith.constant 64 : i32
      %mul3A_242 = arith.muli %add3A_240, %mul3A_241 : i32
      %add3A_243 = arith.constant 16 : i32
      %add3A_244 = arith.addi %mul3A_242, %add3A_243 : i32
      %swap3A_245 = arith.index_cast %add3A_244 : i32 to index
      %swap3A_246 = tpu.vector_load %arg10[%swap3A_245] {strides = array<i32>} : memref<32768xf32, #tpu.memory_space<vmem>>, vector<16xf32>,
      %swap3A_247 = vector.shape_cast %swap3A_246 : vector<16xf32> to vector<16xf32>
      %swap3A_248 = vector.shape_cast %mul3A_236 : vector<16xf32> to vector<16xf32>
      tpu.vector_store %arg10[%swap3A_245], %swap3A_248 {strides = array<i32>} : memref<32768xf32, #tpu.memory_space<vmem>>, vector<16xf32>,
      %mul3A_249 = arith.constant 2.000000e-02 : f32
      %mul3A_250 = vector.broadcast %mul3A_249 : f32 to vector<16xf32>
      %mul3A_251 = arith.mulf %scan3A_217#2, %mul3A_250 : vector<16xf32>
      %mul3A_252 = arith.constant 2 : i32
      %mul3A_253 = arith.muli %mul3A_252, %add3A_181 : i32
      %add3A_254 = arith.constant 0 : i32
      %add3A_255 = arith.addi %mul3A_253, %add3A_254 : i32
      %mul3A_256 = arith.constant 64 : i32
      %mul3A_257 = arith.muli %add3A_255, %mul3A_256 : i32
      %add3A_258 = arith.constant 32 : i32
      %add3A_259 = arith.addi %mul3A_257, %add3A_258 : i32
      %swap3A_260 = arith.index_cast %add3A_259 : i32 to index
      %swap3A_261 = tpu.vector_load %arg10[%swap3A_260] {strides = array<i32>} : memref<32768xf32, #tpu.memory_space<vmem>>, vector<16xf32>,
      %swap3A_262 = vector.shape_cast %swap3A_261 : vector<16xf32> to vector<16xf32>
      %swap3A_263 = vector.shape_cast %mul3A_251 : vector<16xf32> to vector<16xf32>
      tpu.vector_store %arg10[%swap3A_260], %swap3A_263 {strides = array<i32>} : memref<32768xf32, #tpu.memory_space<vmem>>, vector<16xf32>,
      %mul3A_264 = arith.constant 2.000000e-02 : f32
      %mul3A_265 = vector.broadcast %mul3A_264 : f32 to vector<16xf32>
      %mul3A_266 = arith.mulf %scan3A_217#3, %mul3A_265 : vector<16xf32>
      %mul3A_267 = arith.constant 2 : i32
      %mul3A_268 = arith.muli %mul3A_267, %add3A_181 : i32
      %add3A_269 = arith.constant 0 : i32
      %add3A_270 = arith.addi %mul3A_268, %add3A_269 : i32
      %mul3A_271 = arith.constant 64 : i32
      %mul3A_272 = arith.muli %add3A_270, %mul3A_271 : i32
      %add3A_273 = arith.constant 48 : i32
      %add3A_274 = arith.addi %mul3A_272, %add3A_273 : i32
      %swap3A_275 = arith.index_cast %add3A_274 : i32 to index
      %swap3A_276 = tpu.vector_load %arg10[%swap3A_275] {strides = array<i32>} : memref<32768xf32, #tpu.memory_space<vmem>>, vector<16xf32>,
      %swap3A_277 = vector.shape_cast %swap3A_276 : vector<16xf32> to vector<16xf32>
      %swap3A_278 = vector.shape_cast %mul3A_266 : vector<16xf32> to vector<16xf32>
      tpu.vector_store %arg10[%swap3A_275], %swap3A_278 {strides = array<i32>} : memref<32768xf32, #tpu.memory_space<vmem>>, vector<16xf32>,
      %mul3A_279 = arith.constant 2.000000e-02 : f32
      %mul3A_280 = vector.broadcast %mul3A_279 : f32 to vector<16xf32>
      %mul3A_281 = arith.mulf %scan3A_217#4, %mul3A_280 : vector<16xf32>
      %mul3A_282 = arith.constant 2 : i32
      %mul3A_283 = arith.muli %mul3A_282, %add3A_181 : i32
      %add3A_284 = arith.constant 1 : i32
      %add3A_285 = arith.addi %mul3A_283, %add3A_284 : i32
      %mul3A_286 = arith.constant 64 : i32
      %mul3A_287 = arith.muli %add3A_285, %mul3A_286 : i32
      %add3A_288 = arith.constant 0 : i32
      %add3A_289 = arith.addi %mul3A_287, %add3A_288 : i32
      %swap3A_290 = arith.index_cast %add3A_289 : i32 to index
      %swap3A_291 = tpu.vector_load %arg10[%swap3A_290] {strides = array<i32>} : memref<32768xf32, #tpu.memory_space<vmem>>, vector<16xf32>,
      %swap3A_292 = vector.shape_cast %swap3A_291 : vector<16xf32> to vector<16xf32>
      %swap3A_293 = vector.shape_cast %mul3A_281 : vector<16xf32> to vector<16xf32>
      tpu.vector_store %arg10[%swap3A_290], %swap3A_293 {strides = array<i32>} : memref<32768xf32, #tpu.memory_space<vmem>>, vector<16xf32>,
      %mul3A_294 = arith.constant 2.000000e-02 : f32
      %mul3A_295 = vector.broadcast %mul3A_294 : f32 to vector<16xf32>
      %mul3A_296 = arith.mulf %scan3A_217#5, %mul3A_295 : vector<16xf32>
      %mul3A_297 = arith.constant 2 : i32
      %mul3A_298 = arith.muli %mul3A_297, %add3A_181 : i32
      %add3A_299 = arith.constant 1 : i32
      %add3A_300 = arith.addi %mul3A_298, %add3A_299 : i32
      %mul3A_301 = arith.constant 64 : i32
      %mul3A_302 = arith.muli %add3A_300, %mul3A_301 : i32
      %add3A_303 = arith.constant 16 : i32
      %add3A_304 = arith.addi %mul3A_302, %add3A_303 : i32
      %swap3A_305 = arith.index_cast %add3A_304 : i32 to index
      %swap3A_306 = tpu.vector_load %arg10[%swap3A_305] {strides = array<i32>} : memref<32768xf32, #tpu.memory_space<vmem>>, vector<16xf32>,
      %swap3A_307 = vector.shape_cast %swap3A_306 : vector<16xf32> to vector<16xf32>
      %swap3A_308 = vector.shape_cast %mul3A_296 : vector<16xf32> to vector<16xf32>
      tpu.vector_store %arg10[%swap3A_305], %swap3A_308 {strides = array<i32>} : memref<32768xf32, #tpu.memory_space<vmem>>, vector<16xf32>,
      %mul3A_309 = arith.constant 2.000000e-02 : f32
      %mul3A_310 = vector.broadcast %mul3A_309 : f32 to vector<16xf32>
      %mul3A_311 = arith.mulf %scan3A_217#6, %mul3A_310 : vector<16xf32>
      %mul3A_312 = arith.constant 2 : i32
      %mul3A_313 = arith.muli %mul3A_312, %add3A_181 : i32
      %add3A_314 = arith.constant 1 : i32
      %add3A_315 = arith.addi %mul3A_313, %add3A_314 : i32
      %mul3A_316 = arith.constant 64 : i32
      %mul3A_317 = arith.muli %add3A_315, %mul3A_316 : i32
      %add3A_318 = arith.constant 32 : i32
      %add3A_319 = arith.addi %mul3A_317, %add3A_318 : i32
      %swap3A_320 = arith.index_cast %add3A_319 : i32 to index
      %swap3A_321 = tpu.vector_load %arg10[%swap3A_320] {strides = array<i32>} : memref<32768xf32, #tpu.memory_space<vmem>>, vector<16xf32>,
      %swap3A_322 = vector.shape_cast %swap3A_321 : vector<16xf32> to vector<16xf32>
      %swap3A_323 = vector.shape_cast %mul3A_311 : vector<16xf32> to vector<16xf32>
      tpu.vector_store %arg10[%swap3A_320], %swap3A_323 {strides = array<i32>} : memref<32768xf32, #tpu.memory_space<vmem>>, vector<16xf32>,
      %mul3A_324 = arith.constant 2.000000e-02 : f32
      %mul3A_325 = vector.broadcast %mul3A_324 : f32 to vector<16xf32>
      %mul3A_326 = arith.mulf %scan3A_217#7, %mul3A_325 : vector<16xf32>
      %mul3A_327 = arith.constant 2 : i32
      %mul3A_328 = arith.muli %mul3A_327, %add3A_181 : i32
      %add3A_329 = arith.constant 1 : i32
      %add3A_330 = arith.addi %mul3A_328, %add3A_329 : i32
      %mul3A_331 = arith.constant 64 : i32
      %mul3A_332 = arith.muli %add3A_330, %mul3A_331 : i32
      %add3A_333 = arith.constant 48 : i32
      %add3A_334 = arith.addi %mul3A_332, %add3A_333 : i32
      %swap3A_335 = arith.index_cast %add3A_334 : i32 to index
      %swap3A_336 = tpu.vector_load %arg10[%swap3A_335] {strides = array<i32>} : memref<32768xf32, #tpu.memory_space<vmem>>, vector<16xf32>,
      %swap3A_337 = vector.shape_cast %swap3A_336 : vector<16xf32> to vector<16xf32>
      %swap3A_338 = vector.shape_cast %mul3A_326 : vector<16xf32> to vector<16xf32>
      tpu.vector_store %arg10[%swap3A_335], %swap3A_338 {strides = array<i32>} : memref<32768xf32, #tpu.memory_space<vmem>>, vector<16xf32>,
      %add3A_339 = arith.constant 2 : i32
      %add3A_340 = arith.addi %add3A_27, %add3A_339 : i32
      %add3A_341 = arith.constant 4 : i32
      %add3A_342 = arith.addi %add3A_340, %add3A_341 : i32
      %sub3A_343 = arith.constant 1 : i32
      %sub3A_344 = arith.subi %add3A_342, %sub3A_343 : i32
      %lt3A_345 = arith.constant 256 : i32
      %lt3A_346 = arith.cmpi slt, %sub3A_344, %lt3A_345 : i32
      %convert_element_type3A_347 = arith.extui %lt3A_346 : i1 to i32
      %cond3A_348 = arith.constant 0 : i32
      %cond3A_349 = arith.cmpi ne, %convert_element_type3A_347, %cond3A_348 : i32
      scf.if %cond3A_349 {
        %add3A_657 = arith.constant 4 : i32
        %add3A_658 = arith.addi %add3A_340, %add3A_657 : i32
        %sub3A_659 = arith.constant 1 : i32
        %sub3A_660 = arith.subi %add3A_658, %sub3A_659 : i32
        %mul3A_661 = arith.constant 104 : i32
        %mul3A_662 = arith.muli %sub3A_660, %mul3A_661 : i32
        %dma_start3A_663 = tpu.memref_slice %arg5[%mul3A_662] : memref<26624xi32, #tpu.memory_space<vmem>> -> memref<100xi32, #tpu.memory_space<vmem>>
        %dma_start3A_664 = arith.constant 0 : i32
        %dma_start3A_665 = arith.constant 0 : i32
        %dma_start3A_666 = tpu.memref_slice %arg3[%dma_start3A_664, %dma_start3A_665] : memref<1015808x128xf32, #tpu.memory_space<hbm>> -> memref<1015808x128xf32, #tpu.memory_space<hbm>>
        tpu.enqueue_indirect_dma source(%dma_start3A_666 : memref<1015808x128xf32, #tpu.memory_space<hbm>>) target(%arg7 : memref<100x128xf32, #tpu.memory_space<vmem>>) offsets(%dma_start3A_663 : memref<100xi32, #tpu.memory_space<vmem>>) semaphore(%arg12 : memref<!tpu.dma_semaphore, #tpu.memory_space<semaphore_mem>>)
      } else {
      }
      %mul3A_350 = arith.constant 104 : i32
      %mul3A_351 = arith.muli %add3A_340, %mul3A_350 : i32
      %dma_wait3A_352 = tpu.memref_slice %arg5[%mul3A_351] : memref<26624xi32, #tpu.memory_space<vmem>> -> memref<100xi32, #tpu.memory_space<vmem>>
      %dma_wait3A_353 = arith.constant 0 : i32
      %dma_wait3A_354 = arith.constant 0 : i32
      %dma_wait3A_355 = tpu.memref_slice %arg3[%dma_wait3A_353, %dma_wait3A_354] : memref<1015808x128xf32, #tpu.memory_space<hbm>> -> memref<1015808x128xf32, #tpu.memory_space<hbm>>
      tpu.wait_indirect_dma semaphore(%arg13 : memref<!tpu.dma_semaphore, #tpu.memory_space<semaphore_mem>>) src(%dma_wait3A_355 : memref<1015808x128xf32, #tpu.memory_space<hbm>>) dst(%arg8 : memref<100x128xf32, #tpu.memory_space<vmem>>)
      %broadcast_in_dim3A_356 = arith.constant 0.000000e+00 : f32
      %broadcast_in_dim3A_357 = vector.broadcast %broadcast_in_dim3A_356 : f32 to vector<16xf32>
      %broadcast_in_dim3A_358 = arith.constant 0.000000e+00 : f32
      %broadcast_in_dim3A_359 = vector.broadcast %broadcast_in_dim3A_358 : f32 to vector<16xf32>
      %broadcast_in_dim3A_360 = arith.constant 0.000000e+00 : f32
      %broadcast_in_dim3A_361 = vector.broadcast %broadcast_in_dim3A_360 : f32 to vector<16xf32>
      %broadcast_in_dim3A_362 = arith.constant 0.000000e+00 : f32
      %broadcast_in_dim3A_363 = vector.broadcast %broadcast_in_dim3A_362 : f32 to vector<16xf32>
      %broadcast_in_dim3A_364 = arith.constant 0.000000e+00 : f32
      %broadcast_in_dim3A_365 = vector.broadcast %broadcast_in_dim3A_364 : f32 to vector<16xf32>
      %broadcast_in_dim3A_366 = arith.constant 0.000000e+00 : f32
      %broadcast_in_dim3A_367 = vector.broadcast %broadcast_in_dim3A_366 : f32 to vector<16xf32>
      %broadcast_in_dim3A_368 = arith.constant 0.000000e+00 : f32
      %broadcast_in_dim3A_369 = vector.broadcast %broadcast_in_dim3A_368 : f32 to vector<16xf32>
      %broadcast_in_dim3A_370 = arith.constant 0.000000e+00 : f32
      %broadcast_in_dim3A_371 = vector.broadcast %broadcast_in_dim3A_370 : f32 to vector<16xf32>
      %scan3A_372 = arith.constant 0 : i32
      %scan3A_373 = arith.constant 10 : i32
      %scan3A_374 = arith.addi %scan3A_372, %scan3A_373 : i32
      %scan3A_375 = arith.constant 1 : i32
      %scan3A_376:8 = scf.for %scan3A_657 = %scan3A_372 to %scan3A_374 step %scan3A_375 iter_args(%scan3A_658 = %broadcast_in_dim3A_357, %scan3A_659 = %broadcast_in_dim3A_359, %scan3A_660 = %broadcast_in_dim3A_361, %scan3A_661 = %broadcast_in_dim3A_363, %scan3A_662 = %broadcast_in_dim3A_365, %scan3A_663 = %broadcast_in_dim3A_367, %scan3A_664 = %broadcast_in_dim3A_369, %scan3A_665 = %broadcast_in_dim3A_371) -> (vector<16xf32>, vector<16xf32>, vector<16xf32>, vector<16xf32>, vector<16xf32>, vector<16xf32>, vector<16xf32>, vector<16xf32>)  : i32 {
        %mul3A_666 = arith.constant 5 : i32
        %mul3A_667 = arith.muli %scan3A_657, %mul3A_666 : i32
        %add3A_668 = arith.constant 0 : i32
        %add3A_669 = arith.addi %mul3A_667, %add3A_668 : i32
        %add3A_670 = arith.constant 0 : i32
        %add3A_671 = arith.addi %add3A_670, %add3A_669 : i32
        %get3A = arith.index_cast %add3A_671 : i32 to index
        %get3A_672 = arith.constant 0 : index
        %get3A_673 = tpu.vector_load %arg8[%get3A, %get3A_672] {strides = array<i32>} : memref<100x128xf32, #tpu.memory_space<vmem>>, vector<1x16xf32>,
        %get3A_674 = vector.shape_cast %get3A_673 : vector<1x16xf32> to vector<16xf32>
        %add3A_675 = arith.addf %scan3A_658, %get3A_674 : vector<16xf32>
        %add3A_676 = arith.constant 0 : i32
        %add3A_677 = arith.addi %add3A_676, %add3A_669 : i32
        %get3A_678 = arith.index_cast %add3A_677 : i32 to index
        %get3A_679 = arith.constant 16 : index
        %get3A_680 = tpu.vector_load %arg8[%get3A_678, %get3A_679] {strides = array<i32>} : memref<100x128xf32, #tpu.memory_space<vmem>>, vector<1x16xf32>,
        %get3A_681 = vector.shape_cast %get3A_680 : vector<1x16xf32> to vector<16xf32>
        %add3A_682 = arith.addf %scan3A_659, %get3A_681 : vector<16xf32>
        %add3A_683 = arith.constant 0 : i32
        %add3A_684 = arith.addi %add3A_683, %add3A_669 : i32
        %get3A_685 = arith.index_cast %add3A_684 : i32 to index
        %get3A_686 = arith.constant 32 : index
        %get3A_687 = tpu.vector_load %arg8[%get3A_685, %get3A_686] {strides = array<i32>} : memref<100x128xf32, #tpu.memory_space<vmem>>, vector<1x16xf32>,
        %get3A_688 = vector.shape_cast %get3A_687 : vector<1x16xf32> to vector<16xf32>
        %add3A_689 = arith.addf %scan3A_660, %get3A_688 : vector<16xf32>
        %add3A_690 = arith.constant 0 : i32
        %add3A_691 = arith.addi %add3A_690, %add3A_669 : i32
        %get3A_692 = arith.index_cast %add3A_691 : i32 to index
        %get3A_693 = arith.constant 48 : index
        %get3A_694 = tpu.vector_load %arg8[%get3A_692, %get3A_693] {strides = array<i32>} : memref<100x128xf32, #tpu.memory_space<vmem>>, vector<1x16xf32>,
        %get3A_695 = vector.shape_cast %get3A_694 : vector<1x16xf32> to vector<16xf32>
        %add3A_696 = arith.addf %scan3A_661, %get3A_695 : vector<16xf32>
        %add3A_697 = arith.constant 50 : i32
        %add3A_698 = arith.addi %add3A_697, %add3A_669 : i32
        %get3A_699 = arith.index_cast %add3A_698 : i32 to index
        %get3A_700 = arith.constant 0 : index
        %get3A_701 = tpu.vector_load %arg8[%get3A_699, %get3A_700] {strides = array<i32>} : memref<100x128xf32, #tpu.memory_space<vmem>>, vector<1x16xf32>,
        %get3A_702 = vector.shape_cast %get3A_701 : vector<1x16xf32> to vector<16xf32>
        %add3A_703 = arith.addf %scan3A_662, %get3A_702 : vector<16xf32>
        %add3A_704 = arith.constant 50 : i32
        %add3A_705 = arith.addi %add3A_704, %add3A_669 : i32
        %get3A_706 = arith.index_cast %add3A_705 : i32 to index
        %get3A_707 = arith.constant 16 : index
        %get3A_708 = tpu.vector_load %arg8[%get3A_706, %get3A_707] {strides = array<i32>} : memref<100x128xf32, #tpu.memory_space<vmem>>, vector<1x16xf32>,
        %get3A_709 = vector.shape_cast %get3A_708 : vector<1x16xf32> to vector<16xf32>
        %add3A_710 = arith.addf %scan3A_663, %get3A_709 : vector<16xf32>
        %add3A_711 = arith.constant 50 : i32
        %add3A_712 = arith.addi %add3A_711, %add3A_669 : i32
        %get3A_713 = arith.index_cast %add3A_712 : i32 to index
        %get3A_714 = arith.constant 32 : index
        %get3A_715 = tpu.vector_load %arg8[%get3A_713, %get3A_714] {strides = array<i32>} : memref<100x128xf32, #tpu.memory_space<vmem>>, vector<1x16xf32>,
        %get3A_716 = vector.shape_cast %get3A_715 : vector<1x16xf32> to vector<16xf32>
        %add3A_717 = arith.addf %scan3A_664, %get3A_716 : vector<16xf32>
        %add3A_718 = arith.constant 50 : i32
        %add3A_719 = arith.addi %add3A_718, %add3A_669 : i32
        %get3A_720 = arith.index_cast %add3A_719 : i32 to index
        %get3A_721 = arith.constant 48 : index
        %get3A_722 = tpu.vector_load %arg8[%get3A_720, %get3A_721] {strides = array<i32>} : memref<100x128xf32, #tpu.memory_space<vmem>>, vector<1x16xf32>,
        %get3A_723 = vector.shape_cast %get3A_722 : vector<1x16xf32> to vector<16xf32>
        %add3A_724 = arith.addf %scan3A_665, %get3A_723 : vector<16xf32>
        %mul3A_725 = arith.constant 5 : i32
        %mul3A_726 = arith.muli %scan3A_657, %mul3A_725 : i32
        %add3A_727 = arith.constant 1 : i32
        %add3A_728 = arith.addi %mul3A_726, %add3A_727 : i32
        %add3A_729 = arith.constant 0 : i32
        %add3A_730 = arith.addi %add3A_729, %add3A_728 : i32
        %get3A_731 = arith.index_cast %add3A_730 : i32 to index
        %get3A_732 = arith.constant 0 : index
        %get3A_733 = tpu.vector_load %arg8[%get3A_731, %get3A_732] {strides = array<i32>} : memref<100x128xf32, #tpu.memory_space<vmem>>, vector<1x16xf32>,
        %get3A_734 = vector.shape_cast %get3A_733 : vector<1x16xf32> to vector<16xf32>
        %add3A_735 = arith.addf %add3A_675, %get3A_734 : vector<16xf32>
        %add3A_736 = arith.constant 0 : i32
        %add3A_737 = arith.addi %add3A_736, %add3A_728 : i32
        %get3A_738 = arith.index_cast %add3A_737 : i32 to index
        %get3A_739 = arith.constant 16 : index
        %get3A_740 = tpu.vector_load %arg8[%get3A_738, %get3A_739] {strides = array<i32>} : memref<100x128xf32, #tpu.memory_space<vmem>>, vector<1x16xf32>,
        %get3A_741 = vector.shape_cast %get3A_740 : vector<1x16xf32> to vector<16xf32>
        %add3A_742 = arith.addf %add3A_682, %get3A_741 : vector<16xf32>
        %add3A_743 = arith.constant 0 : i32
        %add3A_744 = arith.addi %add3A_743, %add3A_728 : i32
        %get3A_745 = arith.index_cast %add3A_744 : i32 to index
        %get3A_746 = arith.constant 32 : index
        %get3A_747 = tpu.vector_load %arg8[%get3A_745, %get3A_746] {strides = array<i32>} : memref<100x128xf32, #tpu.memory_space<vmem>>, vector<1x16xf32>,
        %get3A_748 = vector.shape_cast %get3A_747 : vector<1x16xf32> to vector<16xf32>
        %add3A_749 = arith.addf %add3A_689, %get3A_748 : vector<16xf32>
        %add3A_750 = arith.constant 0 : i32
        %add3A_751 = arith.addi %add3A_750, %add3A_728 : i32
        %get3A_752 = arith.index_cast %add3A_751 : i32 to index
        %get3A_753 = arith.constant 48 : index
        %get3A_754 = tpu.vector_load %arg8[%get3A_752, %get3A_753] {strides = array<i32>} : memref<100x128xf32, #tpu.memory_space<vmem>>, vector<1x16xf32>,
        %get3A_755 = vector.shape_cast %get3A_754 : vector<1x16xf32> to vector<16xf32>
        %add3A_756 = arith.addf %add3A_696, %get3A_755 : vector<16xf32>
        %add3A_757 = arith.constant 50 : i32
        %add3A_758 = arith.addi %add3A_757, %add3A_728 : i32
        %get3A_759 = arith.index_cast %add3A_758 : i32 to index
        %get3A_760 = arith.constant 0 : index
        %get3A_761 = tpu.vector_load %arg8[%get3A_759, %get3A_760] {strides = array<i32>} : memref<100x128xf32, #tpu.memory_space<vmem>>, vector<1x16xf32>,
        %get3A_762 = vector.shape_cast %get3A_761 : vector<1x16xf32> to vector<16xf32>
        %add3A_763 = arith.addf %add3A_703, %get3A_762 : vector<16xf32>
        %add3A_764 = arith.constant 50 : i32
        %add3A_765 = arith.addi %add3A_764, %add3A_728 : i32
        %get3A_766 = arith.index_cast %add3A_765 : i32 to index
        %get3A_767 = arith.constant 16 : index
        %get3A_768 = tpu.vector_load %arg8[%get3A_766, %get3A_767] {strides = array<i32>} : memref<100x128xf32, #tpu.memory_space<vmem>>, vector<1x16xf32>,
        %get3A_769 = vector.shape_cast %get3A_768 : vector<1x16xf32> to vector<16xf32>
        %add3A_770 = arith.addf %add3A_710, %get3A_769 : vector<16xf32>
        %add3A_771 = arith.constant 50 : i32
        %add3A_772 = arith.addi %add3A_771, %add3A_728 : i32
        %get3A_773 = arith.index_cast %add3A_772 : i32 to index
        %get3A_774 = arith.constant 32 : index
        %get3A_775 = tpu.vector_load %arg8[%get3A_773, %get3A_774] {strides = array<i32>} : memref<100x128xf32, #tpu.memory_space<vmem>>, vector<1x16xf32>,
        %get3A_776 = vector.shape_cast %get3A_775 : vector<1x16xf32> to vector<16xf32>
        %add3A_777 = arith.addf %add3A_717, %get3A_776 : vector<16xf32>
        %add3A_778 = arith.constant 50 : i32
        %add3A_779 = arith.addi %add3A_778, %add3A_728 : i32
        %get3A_780 = arith.index_cast %add3A_779 : i32 to index
        %get3A_781 = arith.constant 48 : index
        %get3A_782 = tpu.vector_load %arg8[%get3A_780, %get3A_781] {strides = array<i32>} : memref<100x128xf32, #tpu.memory_space<vmem>>, vector<1x16xf32>,
        %get3A_783 = vector.shape_cast %get3A_782 : vector<1x16xf32> to vector<16xf32>
        %add3A_784 = arith.addf %add3A_724, %get3A_783 : vector<16xf32>
        %mul3A_785 = arith.constant 5 : i32
        %mul3A_786 = arith.muli %scan3A_657, %mul3A_785 : i32
        %add3A_787 = arith.constant 2 : i32
        %add3A_788 = arith.addi %mul3A_786, %add3A_787 : i32
        %add3A_789 = arith.constant 0 : i32
        %add3A_790 = arith.addi %add3A_789, %add3A_788 : i32
        %get3A_791 = arith.index_cast %add3A_790 : i32 to index
        %get3A_792 = arith.constant 0 : index
        %get3A_793 = tpu.vector_load %arg8[%get3A_791, %get3A_792] {strides = array<i32>} : memref<100x128xf32, #tpu.memory_space<vmem>>, vector<1x16xf32>,
        %get3A_794 = vector.shape_cast %get3A_793 : vector<1x16xf32> to vector<16xf32>
        %add3A_795 = arith.addf %add3A_735, %get3A_794 : vector<16xf32>
        %add3A_796 = arith.constant 0 : i32
        %add3A_797 = arith.addi %add3A_796, %add3A_788 : i32
        %get3A_798 = arith.index_cast %add3A_797 : i32 to index
        %get3A_799 = arith.constant 16 : index
        %get3A_800 = tpu.vector_load %arg8[%get3A_798, %get3A_799] {strides = array<i32>} : memref<100x128xf32, #tpu.memory_space<vmem>>, vector<1x16xf32>,
        %get3A_801 = vector.shape_cast %get3A_800 : vector<1x16xf32> to vector<16xf32>
        %add3A_802 = arith.addf %add3A_742, %get3A_801 : vector<16xf32>
        %add3A_803 = arith.constant 0 : i32
        %add3A_804 = arith.addi %add3A_803, %add3A_788 : i32
        %get3A_805 = arith.index_cast %add3A_804 : i32 to index
        %get3A_806 = arith.constant 32 : index
        %get3A_807 = tpu.vector_load %arg8[%get3A_805, %get3A_806] {strides = array<i32>} : memref<100x128xf32, #tpu.memory_space<vmem>>, vector<1x16xf32>,
        %get3A_808 = vector.shape_cast %get3A_807 : vector<1x16xf32> to vector<16xf32>
        %add3A_809 = arith.addf %add3A_749, %get3A_808 : vector<16xf32>
        %add3A_810 = arith.constant 0 : i32
        %add3A_811 = arith.addi %add3A_810, %add3A_788 : i32
        %get3A_812 = arith.index_cast %add3A_811 : i32 to index
        %get3A_813 = arith.constant 48 : index
        %get3A_814 = tpu.vector_load %arg8[%get3A_812, %get3A_813] {strides = array<i32>} : memref<100x128xf32, #tpu.memory_space<vmem>>, vector<1x16xf32>,
        %get3A_815 = vector.shape_cast %get3A_814 : vector<1x16xf32> to vector<16xf32>
        %add3A_816 = arith.addf %add3A_756, %get3A_815 : vector<16xf32>
        %add3A_817 = arith.constant 50 : i32
        %add3A_818 = arith.addi %add3A_817, %add3A_788 : i32
        %get3A_819 = arith.index_cast %add3A_818 : i32 to index
        %get3A_820 = arith.constant 0 : index
        %get3A_821 = tpu.vector_load %arg8[%get3A_819, %get3A_820] {strides = array<i32>} : memref<100x128xf32, #tpu.memory_space<vmem>>, vector<1x16xf32>,
        %get3A_822 = vector.shape_cast %get3A_821 : vector<1x16xf32> to vector<16xf32>
        %add3A_823 = arith.addf %add3A_763, %get3A_822 : vector<16xf32>
        %add3A_824 = arith.constant 50 : i32
        %add3A_825 = arith.addi %add3A_824, %add3A_788 : i32
        %get3A_826 = arith.index_cast %add3A_825 : i32 to index
        %get3A_827 = arith.constant 16 : index
        %get3A_828 = tpu.vector_load %arg8[%get3A_826, %get3A_827] {strides = array<i32>} : memref<100x128xf32, #tpu.memory_space<vmem>>, vector<1x16xf32>,
        %get3A_829 = vector.shape_cast %get3A_828 : vector<1x16xf32> to vector<16xf32>
        %add3A_830 = arith.addf %add3A_770, %get3A_829 : vector<16xf32>
        %add3A_831 = arith.constant 50 : i32
        %add3A_832 = arith.addi %add3A_831, %add3A_788 : i32
        %get3A_833 = arith.index_cast %add3A_832 : i32 to index
        %get3A_834 = arith.constant 32 : index
        %get3A_835 = tpu.vector_load %arg8[%get3A_833, %get3A_834] {strides = array<i32>} : memref<100x128xf32, #tpu.memory_space<vmem>>, vector<1x16xf32>,
        %get3A_836 = vector.shape_cast %get3A_835 : vector<1x16xf32> to vector<16xf32>
        %add3A_837 = arith.addf %add3A_777, %get3A_836 : vector<16xf32>
        %add3A_838 = arith.constant 50 : i32
        %add3A_839 = arith.addi %add3A_838, %add3A_788 : i32
        %get3A_840 = arith.index_cast %add3A_839 : i32 to index
        %get3A_841 = arith.constant 48 : index
        %get3A_842 = tpu.vector_load %arg8[%get3A_840, %get3A_841] {strides = array<i32>} : memref<100x128xf32, #tpu.memory_space<vmem>>, vector<1x16xf32>,
        %get3A_843 = vector.shape_cast %get3A_842 : vector<1x16xf32> to vector<16xf32>
        %add3A_844 = arith.addf %add3A_784, %get3A_843 : vector<16xf32>
        %mul3A_845 = arith.constant 5 : i32
        %mul3A_846 = arith.muli %scan3A_657, %mul3A_845 : i32
        %add3A_847 = arith.constant 3 : i32
        %add3A_848 = arith.addi %mul3A_846, %add3A_847 : i32
        %add3A_849 = arith.constant 0 : i32
        %add3A_850 = arith.addi %add3A_849, %add3A_848 : i32
        %get3A_851 = arith.index_cast %add3A_850 : i32 to index
        %get3A_852 = arith.constant 0 : index
        %get3A_853 = tpu.vector_load %arg8[%get3A_851, %get3A_852] {strides = array<i32>} : memref<100x128xf32, #tpu.memory_space<vmem>>, vector<1x16xf32>,
        %get3A_854 = vector.shape_cast %get3A_853 : vector<1x16xf32> to vector<16xf32>
        %add3A_855 = arith.addf %add3A_795, %get3A_854 : vector<16xf32>
        %add3A_856 = arith.constant 0 : i32
        %add3A_857 = arith.addi %add3A_856, %add3A_848 : i32
        %get3A_858 = arith.index_cast %add3A_857 : i32 to index
        %get3A_859 = arith.constant 16 : index
        %get3A_860 = tpu.vector_load %arg8[%get3A_858, %get3A_859] {strides = array<i32>} : memref<100x128xf32, #tpu.memory_space<vmem>>, vector<1x16xf32>,
        %get3A_861 = vector.shape_cast %get3A_860 : vector<1x16xf32> to vector<16xf32>
        %add3A_862 = arith.addf %add3A_802, %get3A_861 : vector<16xf32>
        %add3A_863 = arith.constant 0 : i32
        %add3A_864 = arith.addi %add3A_863, %add3A_848 : i32
        %get3A_865 = arith.index_cast %add3A_864 : i32 to index
        %get3A_866 = arith.constant 32 : index
        %get3A_867 = tpu.vector_load %arg8[%get3A_865, %get3A_866] {strides = array<i32>} : memref<100x128xf32, #tpu.memory_space<vmem>>, vector<1x16xf32>,
        %get3A_868 = vector.shape_cast %get3A_867 : vector<1x16xf32> to vector<16xf32>
        %add3A_869 = arith.addf %add3A_809, %get3A_868 : vector<16xf32>
        %add3A_870 = arith.constant 0 : i32
        %add3A_871 = arith.addi %add3A_870, %add3A_848 : i32
        %get3A_872 = arith.index_cast %add3A_871 : i32 to index
        %get3A_873 = arith.constant 48 : index
        %get3A_874 = tpu.vector_load %arg8[%get3A_872, %get3A_873] {strides = array<i32>} : memref<100x128xf32, #tpu.memory_space<vmem>>, vector<1x16xf32>,
        %get3A_875 = vector.shape_cast %get3A_874 : vector<1x16xf32> to vector<16xf32>
        %add3A_876 = arith.addf %add3A_816, %get3A_875 : vector<16xf32>
        %add3A_877 = arith.constant 50 : i32
        %add3A_878 = arith.addi %add3A_877, %add3A_848 : i32
        %get3A_879 = arith.index_cast %add3A_878 : i32 to index
        %get3A_880 = arith.constant 0 : index
        %get3A_881 = tpu.vector_load %arg8[%get3A_879, %get3A_880] {strides = array<i32>} : memref<100x128xf32, #tpu.memory_space<vmem>>, vector<1x16xf32>,
        %get3A_882 = vector.shape_cast %get3A_881 : vector<1x16xf32> to vector<16xf32>
        %add3A_883 = arith.addf %add3A_823, %get3A_882 : vector<16xf32>
        %add3A_884 = arith.constant 50 : i32
        %add3A_885 = arith.addi %add3A_884, %add3A_848 : i32
        %get3A_886 = arith.index_cast %add3A_885 : i32 to index
        %get3A_887 = arith.constant 16 : index
        %get3A_888 = tpu.vector_load %arg8[%get3A_886, %get3A_887] {strides = array<i32>} : memref<100x128xf32, #tpu.memory_space<vmem>>, vector<1x16xf32>,
        %get3A_889 = vector.shape_cast %get3A_888 : vector<1x16xf32> to vector<16xf32>
        %add3A_890 = arith.addf %add3A_830, %get3A_889 : vector<16xf32>
        %add3A_891 = arith.constant 50 : i32
        %add3A_892 = arith.addi %add3A_891, %add3A_848 : i32
        %get3A_893 = arith.index_cast %add3A_892 : i32 to index
        %get3A_894 = arith.constant 32 : index
        %get3A_895 = tpu.vector_load %arg8[%get3A_893, %get3A_894] {strides = array<i32>} : memref<100x128xf32, #tpu.memory_space<vmem>>, vector<1x16xf32>,
        %get3A_896 = vector.shape_cast %get3A_895 : vector<1x16xf32> to vector<16xf32>
        %add3A_897 = arith.addf %add3A_837, %get3A_896 : vector<16xf32>
        %add3A_898 = arith.constant 50 : i32
        %add3A_899 = arith.addi %add3A_898, %add3A_848 : i32
        %get3A_900 = arith.index_cast %add3A_899 : i32 to index
        %get3A_901 = arith.constant 48 : index
        %get3A_902 = tpu.vector_load %arg8[%get3A_900, %get3A_901] {strides = array<i32>} : memref<100x128xf32, #tpu.memory_space<vmem>>, vector<1x16xf32>,
        %get3A_903 = vector.shape_cast %get3A_902 : vector<1x16xf32> to vector<16xf32>
        %add3A_904 = arith.addf %add3A_844, %get3A_903 : vector<16xf32>
        %mul3A_905 = arith.constant 5 : i32
        %mul3A_906 = arith.muli %scan3A_657, %mul3A_905 : i32
        %add3A_907 = arith.constant 4 : i32
        %add3A_908 = arith.addi %mul3A_906, %add3A_907 : i32
        %add3A_909 = arith.constant 0 : i32
        %add3A_910 = arith.addi %add3A_909, %add3A_908 : i32
        %get3A_911 = arith.index_cast %add3A_910 : i32 to index
        %get3A_912 = arith.constant 0 : index
        %get3A_913 = tpu.vector_load %arg8[%get3A_911, %get3A_912] {strides = array<i32>} : memref<100x128xf32, #tpu.memory_space<vmem>>, vector<1x16xf32>,
        %get3A_914 = vector.shape_cast %get3A_913 : vector<1x16xf32> to vector<16xf32>
        %add3A_915 = arith.addf %add3A_855, %get3A_914 : vector<16xf32>
        %add3A_916 = arith.constant 0 : i32
        %add3A_917 = arith.addi %add3A_916, %add3A_908 : i32
        %get3A_918 = arith.index_cast %add3A_917 : i32 to index
        %get3A_919 = arith.constant 16 : index
        %get3A_920 = tpu.vector_load %arg8[%get3A_918, %get3A_919] {strides = array<i32>} : memref<100x128xf32, #tpu.memory_space<vmem>>, vector<1x16xf32>,
        %get3A_921 = vector.shape_cast %get3A_920 : vector<1x16xf32> to vector<16xf32>
        %add3A_922 = arith.addf %add3A_862, %get3A_921 : vector<16xf32>
        %add3A_923 = arith.constant 0 : i32
        %add3A_924 = arith.addi %add3A_923, %add3A_908 : i32
        %get3A_925 = arith.index_cast %add3A_924 : i32 to index
        %get3A_926 = arith.constant 32 : index
        %get3A_927 = tpu.vector_load %arg8[%get3A_925, %get3A_926] {strides = array<i32>} : memref<100x128xf32, #tpu.memory_space<vmem>>, vector<1x16xf32>,
        %get3A_928 = vector.shape_cast %get3A_927 : vector<1x16xf32> to vector<16xf32>
        %add3A_929 = arith.addf %add3A_869, %get3A_928 : vector<16xf32>
        %add3A_930 = arith.constant 0 : i32
        %add3A_931 = arith.addi %add3A_930, %add3A_908 : i32
        %get3A_932 = arith.index_cast %add3A_931 : i32 to index
        %get3A_933 = arith.constant 48 : index
        %get3A_934 = tpu.vector_load %arg8[%get3A_932, %get3A_933] {strides = array<i32>} : memref<100x128xf32, #tpu.memory_space<vmem>>, vector<1x16xf32>,
        %get3A_935 = vector.shape_cast %get3A_934 : vector<1x16xf32> to vector<16xf32>
        %add3A_936 = arith.addf %add3A_876, %get3A_935 : vector<16xf32>
        %add3A_937 = arith.constant 50 : i32
        %add3A_938 = arith.addi %add3A_937, %add3A_908 : i32
        %get3A_939 = arith.index_cast %add3A_938 : i32 to index
        %get3A_940 = arith.constant 0 : index
        %get3A_941 = tpu.vector_load %arg8[%get3A_939, %get3A_940] {strides = array<i32>} : memref<100x128xf32, #tpu.memory_space<vmem>>, vector<1x16xf32>,
        %get3A_942 = vector.shape_cast %get3A_941 : vector<1x16xf32> to vector<16xf32>
        %add3A_943 = arith.addf %add3A_883, %get3A_942 : vector<16xf32>
        %add3A_944 = arith.constant 50 : i32
        %add3A_945 = arith.addi %add3A_944, %add3A_908 : i32
        %get3A_946 = arith.index_cast %add3A_945 : i32 to index
        %get3A_947 = arith.constant 16 : index
        %get3A_948 = tpu.vector_load %arg8[%get3A_946, %get3A_947] {strides = array<i32>} : memref<100x128xf32, #tpu.memory_space<vmem>>, vector<1x16xf32>,
        %get3A_949 = vector.shape_cast %get3A_948 : vector<1x16xf32> to vector<16xf32>
        %add3A_950 = arith.addf %add3A_890, %get3A_949 : vector<16xf32>
        %add3A_951 = arith.constant 50 : i32
        %add3A_952 = arith.addi %add3A_951, %add3A_908 : i32
        %get3A_953 = arith.index_cast %add3A_952 : i32 to index
        %get3A_954 = arith.constant 32 : index
        %get3A_955 = tpu.vector_load %arg8[%get3A_953, %get3A_954] {strides = array<i32>} : memref<100x128xf32, #tpu.memory_space<vmem>>, vector<1x16xf32>,
        %get3A_956 = vector.shape_cast %get3A_955 : vector<1x16xf32> to vector<16xf32>
        %add3A_957 = arith.addf %add3A_897, %get3A_956 : vector<16xf32>
        %add3A_958 = arith.constant 50 : i32
        %add3A_959 = arith.addi %add3A_958, %add3A_908 : i32
        %get3A_960 = arith.index_cast %add3A_959 : i32 to index
        %get3A_961 = arith.constant 48 : index
        %get3A_962 = tpu.vector_load %arg8[%get3A_960, %get3A_961] {strides = array<i32>} : memref<100x128xf32, #tpu.memory_space<vmem>>, vector<1x16xf32>,
        %get3A_963 = vector.shape_cast %get3A_962 : vector<1x16xf32> to vector<16xf32>
        %add3A_964 = arith.addf %add3A_904, %get3A_963 : vector<16xf32>
        scf.yield %add3A_915, %add3A_922, %add3A_929, %add3A_936, %add3A_943, %add3A_950, %add3A_957, %add3A_964 : vector<16xf32>, vector<16xf32>, vector<16xf32>, vector<16xf32>, vector<16xf32>, vector<16xf32>, vector<16xf32>, vector<16xf32>
      }
      %scan3A_377 = arith.constant 10 : i32
      %mul3A_378 = arith.constant 2.000000e-02 : f32
      %mul3A_379 = vector.broadcast %mul3A_378 : f32 to vector<16xf32>
      %mul3A_380 = arith.mulf %scan3A_376#0, %mul3A_379 : vector<16xf32>
      %mul3A_381 = arith.constant 2 : i32
      %mul3A_382 = arith.muli %mul3A_381, %add3A_340 : i32
      %add3A_383 = arith.constant 0 : i32
      %add3A_384 = arith.addi %mul3A_382, %add3A_383 : i32
      %mul3A_385 = arith.constant 64 : i32
      %mul3A_386 = arith.muli %add3A_384, %mul3A_385 : i32
      %add3A_387 = arith.constant 0 : i32
      %add3A_388 = arith.addi %mul3A_386, %add3A_387 : i32
      %swap3A_389 = arith.index_cast %add3A_388 : i32 to index
      %swap3A_390 = tpu.vector_load %arg10[%swap3A_389] {strides = array<i32>} : memref<32768xf32, #tpu.memory_space<vmem>>, vector<16xf32>,
      %swap3A_391 = vector.shape_cast %swap3A_390 : vector<16xf32> to vector<16xf32>
      %swap3A_392 = vector.shape_cast %mul3A_380 : vector<16xf32> to vector<16xf32>
      tpu.vector_store %arg10[%swap3A_389], %swap3A_392 {strides = array<i32>} : memref<32768xf32, #tpu.memory_space<vmem>>, vector<16xf32>,
      %mul3A_393 = arith.constant 2.000000e-02 : f32
      %mul3A_394 = vector.broadcast %mul3A_393 : f32 to vector<16xf32>
      %mul3A_395 = arith.mulf %scan3A_376#1, %mul3A_394 : vector<16xf32>
      %mul3A_396 = arith.constant 2 : i32
      %mul3A_397 = arith.muli %mul3A_396, %add3A_340 : i32
      %add3A_398 = arith.constant 0 : i32
      %add3A_399 = arith.addi %mul3A_397, %add3A_398 : i32
      %mul3A_400 = arith.constant 64 : i32
      %mul3A_401 = arith.muli %add3A_399, %mul3A_400 : i32
      %add3A_402 = arith.constant 16 : i32
      %add3A_403 = arith.addi %mul3A_401, %add3A_402 : i32
      %swap3A_404 = arith.index_cast %add3A_403 : i32 to index
      %swap3A_405 = tpu.vector_load %arg10[%swap3A_404] {strides = array<i32>} : memref<32768xf32, #tpu.memory_space<vmem>>, vector<16xf32>,
      %swap3A_406 = vector.shape_cast %swap3A_405 : vector<16xf32> to vector<16xf32>
      %swap3A_407 = vector.shape_cast %mul3A_395 : vector<16xf32> to vector<16xf32>
      tpu.vector_store %arg10[%swap3A_404], %swap3A_407 {strides = array<i32>} : memref<32768xf32, #tpu.memory_space<vmem>>, vector<16xf32>,
      %mul3A_408 = arith.constant 2.000000e-02 : f32
      %mul3A_409 = vector.broadcast %mul3A_408 : f32 to vector<16xf32>
      %mul3A_410 = arith.mulf %scan3A_376#2, %mul3A_409 : vector<16xf32>
      %mul3A_411 = arith.constant 2 : i32
      %mul3A_412 = arith.muli %mul3A_411, %add3A_340 : i32
      %add3A_413 = arith.constant 0 : i32
      %add3A_414 = arith.addi %mul3A_412, %add3A_413 : i32
      %mul3A_415 = arith.constant 64 : i32
      %mul3A_416 = arith.muli %add3A_414, %mul3A_415 : i32
      %add3A_417 = arith.constant 32 : i32
      %add3A_418 = arith.addi %mul3A_416, %add3A_417 : i32
      %swap3A_419 = arith.index_cast %add3A_418 : i32 to index
      %swap3A_420 = tpu.vector_load %arg10[%swap3A_419] {strides = array<i32>} : memref<32768xf32, #tpu.memory_space<vmem>>, vector<16xf32>,
      %swap3A_421 = vector.shape_cast %swap3A_420 : vector<16xf32> to vector<16xf32>
      %swap3A_422 = vector.shape_cast %mul3A_410 : vector<16xf32> to vector<16xf32>
      tpu.vector_store %arg10[%swap3A_419], %swap3A_422 {strides = array<i32>} : memref<32768xf32, #tpu.memory_space<vmem>>, vector<16xf32>,
      %mul3A_423 = arith.constant 2.000000e-02 : f32
      %mul3A_424 = vector.broadcast %mul3A_423 : f32 to vector<16xf32>
      %mul3A_425 = arith.mulf %scan3A_376#3, %mul3A_424 : vector<16xf32>
      %mul3A_426 = arith.constant 2 : i32
      %mul3A_427 = arith.muli %mul3A_426, %add3A_340 : i32
      %add3A_428 = arith.constant 0 : i32
      %add3A_429 = arith.addi %mul3A_427, %add3A_428 : i32
      %mul3A_430 = arith.constant 64 : i32
      %mul3A_431 = arith.muli %add3A_429, %mul3A_430 : i32
      %add3A_432 = arith.constant 48 : i32
      %add3A_433 = arith.addi %mul3A_431, %add3A_432 : i32
      %swap3A_434 = arith.index_cast %add3A_433 : i32 to index
      %swap3A_435 = tpu.vector_load %arg10[%swap3A_434] {strides = array<i32>} : memref<32768xf32, #tpu.memory_space<vmem>>, vector<16xf32>,
      %swap3A_436 = vector.shape_cast %swap3A_435 : vector<16xf32> to vector<16xf32>
      %swap3A_437 = vector.shape_cast %mul3A_425 : vector<16xf32> to vector<16xf32>
      tpu.vector_store %arg10[%swap3A_434], %swap3A_437 {strides = array<i32>} : memref<32768xf32, #tpu.memory_space<vmem>>, vector<16xf32>,
      %mul3A_438 = arith.constant 2.000000e-02 : f32
      %mul3A_439 = vector.broadcast %mul3A_438 : f32 to vector<16xf32>
      %mul3A_440 = arith.mulf %scan3A_376#4, %mul3A_439 : vector<16xf32>
      %mul3A_441 = arith.constant 2 : i32
      %mul3A_442 = arith.muli %mul3A_441, %add3A_340 : i32
      %add3A_443 = arith.constant 1 : i32
      %add3A_444 = arith.addi %mul3A_442, %add3A_443 : i32
      %mul3A_445 = arith.constant 64 : i32
      %mul3A_446 = arith.muli %add3A_444, %mul3A_445 : i32
      %add3A_447 = arith.constant 0 : i32
      %add3A_448 = arith.addi %mul3A_446, %add3A_447 : i32
      %swap3A_449 = arith.index_cast %add3A_448 : i32 to index
      %swap3A_450 = tpu.vector_load %arg10[%swap3A_449] {strides = array<i32>} : memref<32768xf32, #tpu.memory_space<vmem>>, vector<16xf32>,
      %swap3A_451 = vector.shape_cast %swap3A_450 : vector<16xf32> to vector<16xf32>
      %swap3A_452 = vector.shape_cast %mul3A_440 : vector<16xf32> to vector<16xf32>
      tpu.vector_store %arg10[%swap3A_449], %swap3A_452 {strides = array<i32>} : memref<32768xf32, #tpu.memory_space<vmem>>, vector<16xf32>,
      %mul3A_453 = arith.constant 2.000000e-02 : f32
      %mul3A_454 = vector.broadcast %mul3A_453 : f32 to vector<16xf32>
      %mul3A_455 = arith.mulf %scan3A_376#5, %mul3A_454 : vector<16xf32>
      %mul3A_456 = arith.constant 2 : i32
      %mul3A_457 = arith.muli %mul3A_456, %add3A_340 : i32
      %add3A_458 = arith.constant 1 : i32
      %add3A_459 = arith.addi %mul3A_457, %add3A_458 : i32
      %mul3A_460 = arith.constant 64 : i32
      %mul3A_461 = arith.muli %add3A_459, %mul3A_460 : i32
      %add3A_462 = arith.constant 16 : i32
      %add3A_463 = arith.addi %mul3A_461, %add3A_462 : i32
      %swap3A_464 = arith.index_cast %add3A_463 : i32 to index
      %swap3A_465 = tpu.vector_load %arg10[%swap3A_464] {strides = array<i32>} : memref<32768xf32, #tpu.memory_space<vmem>>, vector<16xf32>,
      %swap3A_466 = vector.shape_cast %swap3A_465 : vector<16xf32> to vector<16xf32>
      %swap3A_467 = vector.shape_cast %mul3A_455 : vector<16xf32> to vector<16xf32>
      tpu.vector_store %arg10[%swap3A_464], %swap3A_467 {strides = array<i32>} : memref<32768xf32, #tpu.memory_space<vmem>>, vector<16xf32>,
      %mul3A_468 = arith.constant 2.000000e-02 : f32
      %mul3A_469 = vector.broadcast %mul3A_468 : f32 to vector<16xf32>
      %mul3A_470 = arith.mulf %scan3A_376#6, %mul3A_469 : vector<16xf32>
      %mul3A_471 = arith.constant 2 : i32
      %mul3A_472 = arith.muli %mul3A_471, %add3A_340 : i32
      %add3A_473 = arith.constant 1 : i32
      %add3A_474 = arith.addi %mul3A_472, %add3A_473 : i32
      %mul3A_475 = arith.constant 64 : i32
      %mul3A_476 = arith.muli %add3A_474, %mul3A_475 : i32
      %add3A_477 = arith.constant 32 : i32
      %add3A_478 = arith.addi %mul3A_476, %add3A_477 : i32
      %swap3A_479 = arith.index_cast %add3A_478 : i32 to index
      %swap3A_480 = tpu.vector_load %arg10[%swap3A_479] {strides = array<i32>} : memref<32768xf32, #tpu.memory_space<vmem>>, vector<16xf32>,
      %swap3A_481 = vector.shape_cast %swap3A_480 : vector<16xf32> to vector<16xf32>
      %swap3A_482 = vector.shape_cast %mul3A_470 : vector<16xf32> to vector<16xf32>
      tpu.vector_store %arg10[%swap3A_479], %swap3A_482 {strides = array<i32>} : memref<32768xf32, #tpu.memory_space<vmem>>, vector<16xf32>,
      %mul3A_483 = arith.constant 2.000000e-02 : f32
      %mul3A_484 = vector.broadcast %mul3A_483 : f32 to vector<16xf32>
      %mul3A_485 = arith.mulf %scan3A_376#7, %mul3A_484 : vector<16xf32>
      %mul3A_486 = arith.constant 2 : i32
      %mul3A_487 = arith.muli %mul3A_486, %add3A_340 : i32
      %add3A_488 = arith.constant 1 : i32
      %add3A_489 = arith.addi %mul3A_487, %add3A_488 : i32
      %mul3A_490 = arith.constant 64 : i32
      %mul3A_491 = arith.muli %add3A_489, %mul3A_490 : i32
      %add3A_492 = arith.constant 48 : i32
      %add3A_493 = arith.addi %mul3A_491, %add3A_492 : i32
      %swap3A_494 = arith.index_cast %add3A_493 : i32 to index
      %swap3A_495 = tpu.vector_load %arg10[%swap3A_494] {strides = array<i32>} : memref<32768xf32, #tpu.memory_space<vmem>>, vector<16xf32>,
      %swap3A_496 = vector.shape_cast %swap3A_495 : vector<16xf32> to vector<16xf32>
      %swap3A_497 = vector.shape_cast %mul3A_485 : vector<16xf32> to vector<16xf32>
      tpu.vector_store %arg10[%swap3A_494], %swap3A_497 {strides = array<i32>} : memref<32768xf32, #tpu.memory_space<vmem>>, vector<16xf32>,
      %add3A_498 = arith.constant 3 : i32
      %add3A_499 = arith.addi %add3A_27, %add3A_498 : i32
      %add3A_500 = arith.constant 4 : i32
      %add3A_501 = arith.addi %add3A_499, %add3A_500 : i32
      %sub3A_502 = arith.constant 1 : i32
      %sub3A_503 = arith.subi %add3A_501, %sub3A_502 : i32
      %lt3A_504 = arith.constant 256 : i32
      %lt3A_505 = arith.cmpi slt, %sub3A_503, %lt3A_504 : i32
      %convert_element_type3A_506 = arith.extui %lt3A_505 : i1 to i32
      %cond3A_507 = arith.constant 0 : i32
      %cond3A_508 = arith.cmpi ne, %convert_element_type3A_506, %cond3A_507 : i32
      scf.if %cond3A_508 {
        %add3A_657 = arith.constant 4 : i32
        %add3A_658 = arith.addi %add3A_499, %add3A_657 : i32
        %sub3A_659 = arith.constant 1 : i32
        %sub3A_660 = arith.subi %add3A_658, %sub3A_659 : i32
        %mul3A_661 = arith.constant 104 : i32
        %mul3A_662 = arith.muli %sub3A_660, %mul3A_661 : i32
        %dma_start3A_663 = tpu.memref_slice %arg5[%mul3A_662] : memref<26624xi32, #tpu.memory_space<vmem>> -> memref<100xi32, #tpu.memory_space<vmem>>
        %dma_start3A_664 = arith.constant 0 : i32
        %dma_start3A_665 = arith.constant 0 : i32
        %dma_start3A_666 = tpu.memref_slice %arg3[%dma_start3A_664, %dma_start3A_665] : memref<1015808x128xf32, #tpu.memory_space<hbm>> -> memref<1015808x128xf32, #tpu.memory_space<hbm>>
        tpu.enqueue_indirect_dma source(%dma_start3A_666 : memref<1015808x128xf32, #tpu.memory_space<hbm>>) target(%arg8 : memref<100x128xf32, #tpu.memory_space<vmem>>) offsets(%dma_start3A_663 : memref<100xi32, #tpu.memory_space<vmem>>) semaphore(%arg13 : memref<!tpu.dma_semaphore, #tpu.memory_space<semaphore_mem>>)
      } else {
      }
      %mul3A_509 = arith.constant 104 : i32
      %mul3A_510 = arith.muli %add3A_499, %mul3A_509 : i32
      %dma_wait3A_511 = tpu.memref_slice %arg5[%mul3A_510] : memref<26624xi32, #tpu.memory_space<vmem>> -> memref<100xi32, #tpu.memory_space<vmem>>
      %dma_wait3A_512 = arith.constant 0 : i32
      %dma_wait3A_513 = arith.constant 0 : i32
      %dma_wait3A_514 = tpu.memref_slice %arg3[%dma_wait3A_512, %dma_wait3A_513] : memref<1015808x128xf32, #tpu.memory_space<hbm>> -> memref<1015808x128xf32, #tpu.memory_space<hbm>>
      tpu.wait_indirect_dma semaphore(%arg14 : memref<!tpu.dma_semaphore, #tpu.memory_space<semaphore_mem>>) src(%dma_wait3A_514 : memref<1015808x128xf32, #tpu.memory_space<hbm>>) dst(%arg9 : memref<100x128xf32, #tpu.memory_space<vmem>>)
      %broadcast_in_dim3A_515 = arith.constant 0.000000e+00 : f32
      %broadcast_in_dim3A_516 = vector.broadcast %broadcast_in_dim3A_515 : f32 to vector<16xf32>
      %broadcast_in_dim3A_517 = arith.constant 0.000000e+00 : f32
      %broadcast_in_dim3A_518 = vector.broadcast %broadcast_in_dim3A_517 : f32 to vector<16xf32>
      %broadcast_in_dim3A_519 = arith.constant 0.000000e+00 : f32
      %broadcast_in_dim3A_520 = vector.broadcast %broadcast_in_dim3A_519 : f32 to vector<16xf32>
      %broadcast_in_dim3A_521 = arith.constant 0.000000e+00 : f32
      %broadcast_in_dim3A_522 = vector.broadcast %broadcast_in_dim3A_521 : f32 to vector<16xf32>
      %broadcast_in_dim3A_523 = arith.constant 0.000000e+00 : f32
      %broadcast_in_dim3A_524 = vector.broadcast %broadcast_in_dim3A_523 : f32 to vector<16xf32>
      %broadcast_in_dim3A_525 = arith.constant 0.000000e+00 : f32
      %broadcast_in_dim3A_526 = vector.broadcast %broadcast_in_dim3A_525 : f32 to vector<16xf32>
      %broadcast_in_dim3A_527 = arith.constant 0.000000e+00 : f32
      %broadcast_in_dim3A_528 = vector.broadcast %broadcast_in_dim3A_527 : f32 to vector<16xf32>
      %broadcast_in_dim3A_529 = arith.constant 0.000000e+00 : f32
      %broadcast_in_dim3A_530 = vector.broadcast %broadcast_in_dim3A_529 : f32 to vector<16xf32>
      %scan3A_531 = arith.constant 0 : i32
      %scan3A_532 = arith.constant 10 : i32
      %scan3A_533 = arith.addi %scan3A_531, %scan3A_532 : i32
      %scan3A_534 = arith.constant 1 : i32
      %scan3A_535:8 = scf.for %scan3A_657 = %scan3A_531 to %scan3A_533 step %scan3A_534 iter_args(%scan3A_658 = %broadcast_in_dim3A_516, %scan3A_659 = %broadcast_in_dim3A_518, %scan3A_660 = %broadcast_in_dim3A_520, %scan3A_661 = %broadcast_in_dim3A_522, %scan3A_662 = %broadcast_in_dim3A_524, %scan3A_663 = %broadcast_in_dim3A_526, %scan3A_664 = %broadcast_in_dim3A_528, %scan3A_665 = %broadcast_in_dim3A_530) -> (vector<16xf32>, vector<16xf32>, vector<16xf32>, vector<16xf32>, vector<16xf32>, vector<16xf32>, vector<16xf32>, vector<16xf32>)  : i32 {
        %mul3A_666 = arith.constant 5 : i32
        %mul3A_667 = arith.muli %scan3A_657, %mul3A_666 : i32
        %add3A_668 = arith.constant 0 : i32
        %add3A_669 = arith.addi %mul3A_667, %add3A_668 : i32
        %add3A_670 = arith.constant 0 : i32
        %add3A_671 = arith.addi %add3A_670, %add3A_669 : i32
        %get3A = arith.index_cast %add3A_671 : i32 to index
        %get3A_672 = arith.constant 0 : index
        %get3A_673 = tpu.vector_load %arg9[%get3A, %get3A_672] {strides = array<i32>} : memref<100x128xf32, #tpu.memory_space<vmem>>, vector<1x16xf32>,
        %get3A_674 = vector.shape_cast %get3A_673 : vector<1x16xf32> to vector<16xf32>
        %add3A_675 = arith.addf %scan3A_658, %get3A_674 : vector<16xf32>
        %add3A_676 = arith.constant 0 : i32
        %add3A_677 = arith.addi %add3A_676, %add3A_669 : i32
        %get3A_678 = arith.index_cast %add3A_677 : i32 to index
        %get3A_679 = arith.constant 16 : index
        %get3A_680 = tpu.vector_load %arg9[%get3A_678, %get3A_679] {strides = array<i32>} : memref<100x128xf32, #tpu.memory_space<vmem>>, vector<1x16xf32>,
        %get3A_681 = vector.shape_cast %get3A_680 : vector<1x16xf32> to vector<16xf32>
        %add3A_682 = arith.addf %scan3A_659, %get3A_681 : vector<16xf32>
        %add3A_683 = arith.constant 0 : i32
        %add3A_684 = arith.addi %add3A_683, %add3A_669 : i32
        %get3A_685 = arith.index_cast %add3A_684 : i32 to index
        %get3A_686 = arith.constant 32 : index
        %get3A_687 = tpu.vector_load %arg9[%get3A_685, %get3A_686] {strides = array<i32>} : memref<100x128xf32, #tpu.memory_space<vmem>>, vector<1x16xf32>,
        %get3A_688 = vector.shape_cast %get3A_687 : vector<1x16xf32> to vector<16xf32>
        %add3A_689 = arith.addf %scan3A_660, %get3A_688 : vector<16xf32>
        %add3A_690 = arith.constant 0 : i32
        %add3A_691 = arith.addi %add3A_690, %add3A_669 : i32
        %get3A_692 = arith.index_cast %add3A_691 : i32 to index
        %get3A_693 = arith.constant 48 : index
        %get3A_694 = tpu.vector_load %arg9[%get3A_692, %get3A_693] {strides = array<i32>} : memref<100x128xf32, #tpu.memory_space<vmem>>, vector<1x16xf32>,
        %get3A_695 = vector.shape_cast %get3A_694 : vector<1x16xf32> to vector<16xf32>
        %add3A_696 = arith.addf %scan3A_661, %get3A_695 : vector<16xf32>
        %add3A_697 = arith.constant 50 : i32
        %add3A_698 = arith.addi %add3A_697, %add3A_669 : i32
        %get3A_699 = arith.index_cast %add3A_698 : i32 to index
        %get3A_700 = arith.constant 0 : index
        %get3A_701 = tpu.vector_load %arg9[%get3A_699, %get3A_700] {strides = array<i32>} : memref<100x128xf32, #tpu.memory_space<vmem>>, vector<1x16xf32>,
        %get3A_702 = vector.shape_cast %get3A_701 : vector<1x16xf32> to vector<16xf32>
        %add3A_703 = arith.addf %scan3A_662, %get3A_702 : vector<16xf32>
        %add3A_704 = arith.constant 50 : i32
        %add3A_705 = arith.addi %add3A_704, %add3A_669 : i32
        %get3A_706 = arith.index_cast %add3A_705 : i32 to index
        %get3A_707 = arith.constant 16 : index
        %get3A_708 = tpu.vector_load %arg9[%get3A_706, %get3A_707] {strides = array<i32>} : memref<100x128xf32, #tpu.memory_space<vmem>>, vector<1x16xf32>,
        %get3A_709 = vector.shape_cast %get3A_708 : vector<1x16xf32> to vector<16xf32>
        %add3A_710 = arith.addf %scan3A_663, %get3A_709 : vector<16xf32>
        %add3A_711 = arith.constant 50 : i32
        %add3A_712 = arith.addi %add3A_711, %add3A_669 : i32
        %get3A_713 = arith.index_cast %add3A_712 : i32 to index
        %get3A_714 = arith.constant 32 : index
        %get3A_715 = tpu.vector_load %arg9[%get3A_713, %get3A_714] {strides = array<i32>} : memref<100x128xf32, #tpu.memory_space<vmem>>, vector<1x16xf32>,
        %get3A_716 = vector.shape_cast %get3A_715 : vector<1x16xf32> to vector<16xf32>
        %add3A_717 = arith.addf %scan3A_664, %get3A_716 : vector<16xf32>
        %add3A_718 = arith.constant 50 : i32
        %add3A_719 = arith.addi %add3A_718, %add3A_669 : i32
        %get3A_720 = arith.index_cast %add3A_719 : i32 to index
        %get3A_721 = arith.constant 48 : index
        %get3A_722 = tpu.vector_load %arg9[%get3A_720, %get3A_721] {strides = array<i32>} : memref<100x128xf32, #tpu.memory_space<vmem>>, vector<1x16xf32>,
        %get3A_723 = vector.shape_cast %get3A_722 : vector<1x16xf32> to vector<16xf32>
        %add3A_724 = arith.addf %scan3A_665, %get3A_723 : vector<16xf32>
        %mul3A_725 = arith.constant 5 : i32
        %mul3A_726 = arith.muli %scan3A_657, %mul3A_725 : i32
        %add3A_727 = arith.constant 1 : i32
        %add3A_728 = arith.addi %mul3A_726, %add3A_727 : i32
        %add3A_729 = arith.constant 0 : i32
        %add3A_730 = arith.addi %add3A_729, %add3A_728 : i32
        %get3A_731 = arith.index_cast %add3A_730 : i32 to index
        %get3A_732 = arith.constant 0 : index
        %get3A_733 = tpu.vector_load %arg9[%get3A_731, %get3A_732] {strides = array<i32>} : memref<100x128xf32, #tpu.memory_space<vmem>>, vector<1x16xf32>,
        %get3A_734 = vector.shape_cast %get3A_733 : vector<1x16xf32> to vector<16xf32>
        %add3A_735 = arith.addf %add3A_675, %get3A_734 : vector<16xf32>
        %add3A_736 = arith.constant 0 : i32
        %add3A_737 = arith.addi %add3A_736, %add3A_728 : i32
        %get3A_738 = arith.index_cast %add3A_737 : i32 to index
        %get3A_739 = arith.constant 16 : index
        %get3A_740 = tpu.vector_load %arg9[%get3A_738, %get3A_739] {strides = array<i32>} : memref<100x128xf32, #tpu.memory_space<vmem>>, vector<1x16xf32>,
        %get3A_741 = vector.shape_cast %get3A_740 : vector<1x16xf32> to vector<16xf32>
        %add3A_742 = arith.addf %add3A_682, %get3A_741 : vector<16xf32>
        %add3A_743 = arith.constant 0 : i32
        %add3A_744 = arith.addi %add3A_743, %add3A_728 : i32
        %get3A_745 = arith.index_cast %add3A_744 : i32 to index
        %get3A_746 = arith.constant 32 : index
        %get3A_747 = tpu.vector_load %arg9[%get3A_745, %get3A_746] {strides = array<i32>} : memref<100x128xf32, #tpu.memory_space<vmem>>, vector<1x16xf32>,
        %get3A_748 = vector.shape_cast %get3A_747 : vector<1x16xf32> to vector<16xf32>
        %add3A_749 = arith.addf %add3A_689, %get3A_748 : vector<16xf32>
        %add3A_750 = arith.constant 0 : i32
        %add3A_751 = arith.addi %add3A_750, %add3A_728 : i32
        %get3A_752 = arith.index_cast %add3A_751 : i32 to index
        %get3A_753 = arith.constant 48 : index
        %get3A_754 = tpu.vector_load %arg9[%get3A_752, %get3A_753] {strides = array<i32>} : memref<100x128xf32, #tpu.memory_space<vmem>>, vector<1x16xf32>,
        %get3A_755 = vector.shape_cast %get3A_754 : vector<1x16xf32> to vector<16xf32>
        %add3A_756 = arith.addf %add3A_696, %get3A_755 : vector<16xf32>
        %add3A_757 = arith.constant 50 : i32
        %add3A_758 = arith.addi %add3A_757, %add3A_728 : i32
        %get3A_759 = arith.index_cast %add3A_758 : i32 to index
        %get3A_760 = arith.constant 0 : index
        %get3A_761 = tpu.vector_load %arg9[%get3A_759, %get3A_760] {strides = array<i32>} : memref<100x128xf32, #tpu.memory_space<vmem>>, vector<1x16xf32>,
        %get3A_762 = vector.shape_cast %get3A_761 : vector<1x16xf32> to vector<16xf32>
        %add3A_763 = arith.addf %add3A_703, %get3A_762 : vector<16xf32>
        %add3A_764 = arith.constant 50 : i32
        %add3A_765 = arith.addi %add3A_764, %add3A_728 : i32
        %get3A_766 = arith.index_cast %add3A_765 : i32 to index
        %get3A_767 = arith.constant 16 : index
        %get3A_768 = tpu.vector_load %arg9[%get3A_766, %get3A_767] {strides = array<i32>} : memref<100x128xf32, #tpu.memory_space<vmem>>, vector<1x16xf32>,
        %get3A_769 = vector.shape_cast %get3A_768 : vector<1x16xf32> to vector<16xf32>
        %add3A_770 = arith.addf %add3A_710, %get3A_769 : vector<16xf32>
        %add3A_771 = arith.constant 50 : i32
        %add3A_772 = arith.addi %add3A_771, %add3A_728 : i32
        %get3A_773 = arith.index_cast %add3A_772 : i32 to index
        %get3A_774 = arith.constant 32 : index
        %get3A_775 = tpu.vector_load %arg9[%get3A_773, %get3A_774] {strides = array<i32>} : memref<100x128xf32, #tpu.memory_space<vmem>>, vector<1x16xf32>,
        %get3A_776 = vector.shape_cast %get3A_775 : vector<1x16xf32> to vector<16xf32>
        %add3A_777 = arith.addf %add3A_717, %get3A_776 : vector<16xf32>
        %add3A_778 = arith.constant 50 : i32
        %add3A_779 = arith.addi %add3A_778, %add3A_728 : i32
        %get3A_780 = arith.index_cast %add3A_779 : i32 to index
        %get3A_781 = arith.constant 48 : index
        %get3A_782 = tpu.vector_load %arg9[%get3A_780, %get3A_781] {strides = array<i32>} : memref<100x128xf32, #tpu.memory_space<vmem>>, vector<1x16xf32>,
        %get3A_783 = vector.shape_cast %get3A_782 : vector<1x16xf32> to vector<16xf32>
        %add3A_784 = arith.addf %add3A_724, %get3A_783 : vector<16xf32>
        %mul3A_785 = arith.constant 5 : i32
        %mul3A_786 = arith.muli %scan3A_657, %mul3A_785 : i32
        %add3A_787 = arith.constant 2 : i32
        %add3A_788 = arith.addi %mul3A_786, %add3A_787 : i32
        %add3A_789 = arith.constant 0 : i32
        %add3A_790 = arith.addi %add3A_789, %add3A_788 : i32
        %get3A_791 = arith.index_cast %add3A_790 : i32 to index
        %get3A_792 = arith.constant 0 : index
        %get3A_793 = tpu.vector_load %arg9[%get3A_791, %get3A_792] {strides = array<i32>} : memref<100x128xf32, #tpu.memory_space<vmem>>, vector<1x16xf32>,
        %get3A_794 = vector.shape_cast %get3A_793 : vector<1x16xf32> to vector<16xf32>
        %add3A_795 = arith.addf %add3A_735, %get3A_794 : vector<16xf32>
        %add3A_796 = arith.constant 0 : i32
        %add3A_797 = arith.addi %add3A_796, %add3A_788 : i32
        %get3A_798 = arith.index_cast %add3A_797 : i32 to index
        %get3A_799 = arith.constant 16 : index
        %get3A_800 = tpu.vector_load %arg9[%get3A_798, %get3A_799] {strides = array<i32>} : memref<100x128xf32, #tpu.memory_space<vmem>>, vector<1x16xf32>,
        %get3A_801 = vector.shape_cast %get3A_800 : vector<1x16xf32> to vector<16xf32>
        %add3A_802 = arith.addf %add3A_742, %get3A_801 : vector<16xf32>
        %add3A_803 = arith.constant 0 : i32
        %add3A_804 = arith.addi %add3A_803, %add3A_788 : i32
        %get3A_805 = arith.index_cast %add3A_804 : i32 to index
        %get3A_806 = arith.constant 32 : index
        %get3A_807 = tpu.vector_load %arg9[%get3A_805, %get3A_806] {strides = array<i32>} : memref<100x128xf32, #tpu.memory_space<vmem>>, vector<1x16xf32>,
        %get3A_808 = vector.shape_cast %get3A_807 : vector<1x16xf32> to vector<16xf32>
        %add3A_809 = arith.addf %add3A_749, %get3A_808 : vector<16xf32>
        %add3A_810 = arith.constant 0 : i32
        %add3A_811 = arith.addi %add3A_810, %add3A_788 : i32
        %get3A_812 = arith.index_cast %add3A_811 : i32 to index
        %get3A_813 = arith.constant 48 : index
        %get3A_814 = tpu.vector_load %arg9[%get3A_812, %get3A_813] {strides = array<i32>} : memref<100x128xf32, #tpu.memory_space<vmem>>, vector<1x16xf32>,
        %get3A_815 = vector.shape_cast %get3A_814 : vector<1x16xf32> to vector<16xf32>
        %add3A_816 = arith.addf %add3A_756, %get3A_815 : vector<16xf32>
        %add3A_817 = arith.constant 50 : i32
        %add3A_818 = arith.addi %add3A_817, %add3A_788 : i32
        %get3A_819 = arith.index_cast %add3A_818 : i32 to index
        %get3A_820 = arith.constant 0 : index
        %get3A_821 = tpu.vector_load %arg9[%get3A_819, %get3A_820] {strides = array<i32>} : memref<100x128xf32, #tpu.memory_space<vmem>>, vector<1x16xf32>,
        %get3A_822 = vector.shape_cast %get3A_821 : vector<1x16xf32> to vector<16xf32>
        %add3A_823 = arith.addf %add3A_763, %get3A_822 : vector<16xf32>
        %add3A_824 = arith.constant 50 : i32
        %add3A_825 = arith.addi %add3A_824, %add3A_788 : i32
        %get3A_826 = arith.index_cast %add3A_825 : i32 to index
        %get3A_827 = arith.constant 16 : index
        %get3A_828 = tpu.vector_load %arg9[%get3A_826, %get3A_827] {strides = array<i32>} : memref<100x128xf32, #tpu.memory_space<vmem>>, vector<1x16xf32>,
        %get3A_829 = vector.shape_cast %get3A_828 : vector<1x16xf32> to vector<16xf32>
        %add3A_830 = arith.addf %add3A_770, %get3A_829 : vector<16xf32>
        %add3A_831 = arith.constant 50 : i32
        %add3A_832 = arith.addi %add3A_831, %add3A_788 : i32
        %get3A_833 = arith.index_cast %add3A_832 : i32 to index
        %get3A_834 = arith.constant 32 : index
        %get3A_835 = tpu.vector_load %arg9[%get3A_833, %get3A_834] {strides = array<i32>} : memref<100x128xf32, #tpu.memory_space<vmem>>, vector<1x16xf32>,
        %get3A_836 = vector.shape_cast %get3A_835 : vector<1x16xf32> to vector<16xf32>
        %add3A_837 = arith.addf %add3A_777, %get3A_836 : vector<16xf32>
        %add3A_838 = arith.constant 50 : i32
        %add3A_839 = arith.addi %add3A_838, %add3A_788 : i32
        %get3A_840 = arith.index_cast %add3A_839 : i32 to index
        %get3A_841 = arith.constant 48 : index
        %get3A_842 = tpu.vector_load %arg9[%get3A_840, %get3A_841] {strides = array<i32>} : memref<100x128xf32, #tpu.memory_space<vmem>>, vector<1x16xf32>,
        %get3A_843 = vector.shape_cast %get3A_842 : vector<1x16xf32> to vector<16xf32>
        %add3A_844 = arith.addf %add3A_784, %get3A_843 : vector<16xf32>
        %mul3A_845 = arith.constant 5 : i32
        %mul3A_846 = arith.muli %scan3A_657, %mul3A_845 : i32
        %add3A_847 = arith.constant 3 : i32
        %add3A_848 = arith.addi %mul3A_846, %add3A_847 : i32
        %add3A_849 = arith.constant 0 : i32
        %add3A_850 = arith.addi %add3A_849, %add3A_848 : i32
        %get3A_851 = arith.index_cast %add3A_850 : i32 to index
        %get3A_852 = arith.constant 0 : index
        %get3A_853 = tpu.vector_load %arg9[%get3A_851, %get3A_852] {strides = array<i32>} : memref<100x128xf32, #tpu.memory_space<vmem>>, vector<1x16xf32>,
        %get3A_854 = vector.shape_cast %get3A_853 : vector<1x16xf32> to vector<16xf32>
        %add3A_855 = arith.addf %add3A_795, %get3A_854 : vector<16xf32>
        %add3A_856 = arith.constant 0 : i32
        %add3A_857 = arith.addi %add3A_856, %add3A_848 : i32
        %get3A_858 = arith.index_cast %add3A_857 : i32 to index
        %get3A_859 = arith.constant 16 : index
        %get3A_860 = tpu.vector_load %arg9[%get3A_858, %get3A_859] {strides = array<i32>} : memref<100x128xf32, #tpu.memory_space<vmem>>, vector<1x16xf32>,
        %get3A_861 = vector.shape_cast %get3A_860 : vector<1x16xf32> to vector<16xf32>
        %add3A_862 = arith.addf %add3A_802, %get3A_861 : vector<16xf32>
        %add3A_863 = arith.constant 0 : i32
        %add3A_864 = arith.addi %add3A_863, %add3A_848 : i32
        %get3A_865 = arith.index_cast %add3A_864 : i32 to index
        %get3A_866 = arith.constant 32 : index
        %get3A_867 = tpu.vector_load %arg9[%get3A_865, %get3A_866] {strides = array<i32>} : memref<100x128xf32, #tpu.memory_space<vmem>>, vector<1x16xf32>,
        %get3A_868 = vector.shape_cast %get3A_867 : vector<1x16xf32> to vector<16xf32>
        %add3A_869 = arith.addf %add3A_809, %get3A_868 : vector<16xf32>
        %add3A_870 = arith.constant 0 : i32
        %add3A_871 = arith.addi %add3A_870, %add3A_848 : i32
        %get3A_872 = arith.index_cast %add3A_871 : i32 to index
        %get3A_873 = arith.constant 48 : index
        %get3A_874 = tpu.vector_load %arg9[%get3A_872, %get3A_873] {strides = array<i32>} : memref<100x128xf32, #tpu.memory_space<vmem>>, vector<1x16xf32>,
        %get3A_875 = vector.shape_cast %get3A_874 : vector<1x16xf32> to vector<16xf32>
        %add3A_876 = arith.addf %add3A_816, %get3A_875 : vector<16xf32>
        %add3A_877 = arith.constant 50 : i32
        %add3A_878 = arith.addi %add3A_877, %add3A_848 : i32
        %get3A_879 = arith.index_cast %add3A_878 : i32 to index
        %get3A_880 = arith.constant 0 : index
        %get3A_881 = tpu.vector_load %arg9[%get3A_879, %get3A_880] {strides = array<i32>} : memref<100x128xf32, #tpu.memory_space<vmem>>, vector<1x16xf32>,
        %get3A_882 = vector.shape_cast %get3A_881 : vector<1x16xf32> to vector<16xf32>
        %add3A_883 = arith.addf %add3A_823, %get3A_882 : vector<16xf32>
        %add3A_884 = arith.constant 50 : i32
        %add3A_885 = arith.addi %add3A_884, %add3A_848 : i32
        %get3A_886 = arith.index_cast %add3A_885 : i32 to index
        %get3A_887 = arith.constant 16 : index
        %get3A_888 = tpu.vector_load %arg9[%get3A_886, %get3A_887] {strides = array<i32>} : memref<100x128xf32, #tpu.memory_space<vmem>>, vector<1x16xf32>,
        %get3A_889 = vector.shape_cast %get3A_888 : vector<1x16xf32> to vector<16xf32>
        %add3A_890 = arith.addf %add3A_830, %get3A_889 : vector<16xf32>
        %add3A_891 = arith.constant 50 : i32
        %add3A_892 = arith.addi %add3A_891, %add3A_848 : i32
        %get3A_893 = arith.index_cast %add3A_892 : i32 to index
        %get3A_894 = arith.constant 32 : index
        %get3A_895 = tpu.vector_load %arg9[%get3A_893, %get3A_894] {strides = array<i32>} : memref<100x128xf32, #tpu.memory_space<vmem>>, vector<1x16xf32>,
        %get3A_896 = vector.shape_cast %get3A_895 : vector<1x16xf32> to vector<16xf32>
        %add3A_897 = arith.addf %add3A_837, %get3A_896 : vector<16xf32>
        %add3A_898 = arith.constant 50 : i32
        %add3A_899 = arith.addi %add3A_898, %add3A_848 : i32
        %get3A_900 = arith.index_cast %add3A_899 : i32 to index
        %get3A_901 = arith.constant 48 : index
        %get3A_902 = tpu.vector_load %arg9[%get3A_900, %get3A_901] {strides = array<i32>} : memref<100x128xf32, #tpu.memory_space<vmem>>, vector<1x16xf32>,
        %get3A_903 = vector.shape_cast %get3A_902 : vector<1x16xf32> to vector<16xf32>
        %add3A_904 = arith.addf %add3A_844, %get3A_903 : vector<16xf32>
        %mul3A_905 = arith.constant 5 : i32
        %mul3A_906 = arith.muli %scan3A_657, %mul3A_905 : i32
        %add3A_907 = arith.constant 4 : i32
        %add3A_908 = arith.addi %mul3A_906, %add3A_907 : i32
        %add3A_909 = arith.constant 0 : i32
        %add3A_910 = arith.addi %add3A_909, %add3A_908 : i32
        %get3A_911 = arith.index_cast %add3A_910 : i32 to index
        %get3A_912 = arith.constant 0 : index
        %get3A_913 = tpu.vector_load %arg9[%get3A_911, %get3A_912] {strides = array<i32>} : memref<100x128xf32, #tpu.memory_space<vmem>>, vector<1x16xf32>,
        %get3A_914 = vector.shape_cast %get3A_913 : vector<1x16xf32> to vector<16xf32>
        %add3A_915 = arith.addf %add3A_855, %get3A_914 : vector<16xf32>
        %add3A_916 = arith.constant 0 : i32
        %add3A_917 = arith.addi %add3A_916, %add3A_908 : i32
        %get3A_918 = arith.index_cast %add3A_917 : i32 to index
        %get3A_919 = arith.constant 16 : index
        %get3A_920 = tpu.vector_load %arg9[%get3A_918, %get3A_919] {strides = array<i32>} : memref<100x128xf32, #tpu.memory_space<vmem>>, vector<1x16xf32>,
        %get3A_921 = vector.shape_cast %get3A_920 : vector<1x16xf32> to vector<16xf32>
        %add3A_922 = arith.addf %add3A_862, %get3A_921 : vector<16xf32>
        %add3A_923 = arith.constant 0 : i32
        %add3A_924 = arith.addi %add3A_923, %add3A_908 : i32
        %get3A_925 = arith.index_cast %add3A_924 : i32 to index
        %get3A_926 = arith.constant 32 : index
        %get3A_927 = tpu.vector_load %arg9[%get3A_925, %get3A_926] {strides = array<i32>} : memref<100x128xf32, #tpu.memory_space<vmem>>, vector<1x16xf32>,
        %get3A_928 = vector.shape_cast %get3A_927 : vector<1x16xf32> to vector<16xf32>
        %add3A_929 = arith.addf %add3A_869, %get3A_928 : vector<16xf32>
        %add3A_930 = arith.constant 0 : i32
        %add3A_931 = arith.addi %add3A_930, %add3A_908 : i32
        %get3A_932 = arith.index_cast %add3A_931 : i32 to index
        %get3A_933 = arith.constant 48 : index
        %get3A_934 = tpu.vector_load %arg9[%get3A_932, %get3A_933] {strides = array<i32>} : memref<100x128xf32, #tpu.memory_space<vmem>>, vector<1x16xf32>,
        %get3A_935 = vector.shape_cast %get3A_934 : vector<1x16xf32> to vector<16xf32>
        %add3A_936 = arith.addf %add3A_876, %get3A_935 : vector<16xf32>
        %add3A_937 = arith.constant 50 : i32
        %add3A_938 = arith.addi %add3A_937, %add3A_908 : i32
        %get3A_939 = arith.index_cast %add3A_938 : i32 to index
        %get3A_940 = arith.constant 0 : index
        %get3A_941 = tpu.vector_load %arg9[%get3A_939, %get3A_940] {strides = array<i32>} : memref<100x128xf32, #tpu.memory_space<vmem>>, vector<1x16xf32>,
        %get3A_942 = vector.shape_cast %get3A_941 : vector<1x16xf32> to vector<16xf32>
        %add3A_943 = arith.addf %add3A_883, %get3A_942 : vector<16xf32>
        %add3A_944 = arith.constant 50 : i32
        %add3A_945 = arith.addi %add3A_944, %add3A_908 : i32
        %get3A_946 = arith.index_cast %add3A_945 : i32 to index
        %get3A_947 = arith.constant 16 : index
        %get3A_948 = tpu.vector_load %arg9[%get3A_946, %get3A_947] {strides = array<i32>} : memref<100x128xf32, #tpu.memory_space<vmem>>, vector<1x16xf32>,
        %get3A_949 = vector.shape_cast %get3A_948 : vector<1x16xf32> to vector<16xf32>
        %add3A_950 = arith.addf %add3A_890, %get3A_949 : vector<16xf32>
        %add3A_951 = arith.constant 50 : i32
        %add3A_952 = arith.addi %add3A_951, %add3A_908 : i32
        %get3A_953 = arith.index_cast %add3A_952 : i32 to index
        %get3A_954 = arith.constant 32 : index
        %get3A_955 = tpu.vector_load %arg9[%get3A_953, %get3A_954] {strides = array<i32>} : memref<100x128xf32, #tpu.memory_space<vmem>>, vector<1x16xf32>,
        %get3A_956 = vector.shape_cast %get3A_955 : vector<1x16xf32> to vector<16xf32>
        %add3A_957 = arith.addf %add3A_897, %get3A_956 : vector<16xf32>
        %add3A_958 = arith.constant 50 : i32
        %add3A_959 = arith.addi %add3A_958, %add3A_908 : i32
        %get3A_960 = arith.index_cast %add3A_959 : i32 to index
        %get3A_961 = arith.constant 48 : index
        %get3A_962 = tpu.vector_load %arg9[%get3A_960, %get3A_961] {strides = array<i32>} : memref<100x128xf32, #tpu.memory_space<vmem>>, vector<1x16xf32>,
        %get3A_963 = vector.shape_cast %get3A_962 : vector<1x16xf32> to vector<16xf32>
        %add3A_964 = arith.addf %add3A_904, %get3A_963 : vector<16xf32>
        scf.yield %add3A_915, %add3A_922, %add3A_929, %add3A_936, %add3A_943, %add3A_950, %add3A_957, %add3A_964 : vector<16xf32>, vector<16xf32>, vector<16xf32>, vector<16xf32>, vector<16xf32>, vector<16xf32>, vector<16xf32>, vector<16xf32>
      }
      %scan3A_536 = arith.constant 10 : i32
      %mul3A_537 = arith.constant 2.000000e-02 : f32
      %mul3A_538 = vector.broadcast %mul3A_537 : f32 to vector<16xf32>
      %mul3A_539 = arith.mulf %scan3A_535#0, %mul3A_538 : vector<16xf32>
      %mul3A_540 = arith.constant 2 : i32
      %mul3A_541 = arith.muli %mul3A_540, %add3A_499 : i32
      %add3A_542 = arith.constant 0 : i32
      %add3A_543 = arith.addi %mul3A_541, %add3A_542 : i32
      %mul3A_544 = arith.constant 64 : i32
      %mul3A_545 = arith.muli %add3A_543, %mul3A_544 : i32
      %add3A_546 = arith.constant 0 : i32
      %add3A_547 = arith.addi %mul3A_545, %add3A_546 : i32
      %swap3A_548 = arith.index_cast %add3A_547 : i32 to index
      %swap3A_549 = tpu.vector_load %arg10[%swap3A_548] {strides = array<i32>} : memref<32768xf32, #tpu.memory_space<vmem>>, vector<16xf32>,
      %swap3A_550 = vector.shape_cast %swap3A_549 : vector<16xf32> to vector<16xf32>
      %swap3A_551 = vector.shape_cast %mul3A_539 : vector<16xf32> to vector<16xf32>
      tpu.vector_store %arg10[%swap3A_548], %swap3A_551 {strides = array<i32>} : memref<32768xf32, #tpu.memory_space<vmem>>, vector<16xf32>,
      %mul3A_552 = arith.constant 2.000000e-02 : f32
      %mul3A_553 = vector.broadcast %mul3A_552 : f32 to vector<16xf32>
      %mul3A_554 = arith.mulf %scan3A_535#1, %mul3A_553 : vector<16xf32>
      %mul3A_555 = arith.constant 2 : i32
      %mul3A_556 = arith.muli %mul3A_555, %add3A_499 : i32
      %add3A_557 = arith.constant 0 : i32
      %add3A_558 = arith.addi %mul3A_556, %add3A_557 : i32
      %mul3A_559 = arith.constant 64 : i32
      %mul3A_560 = arith.muli %add3A_558, %mul3A_559 : i32
      %add3A_561 = arith.constant 16 : i32
      %add3A_562 = arith.addi %mul3A_560, %add3A_561 : i32
      %swap3A_563 = arith.index_cast %add3A_562 : i32 to index
      %swap3A_564 = tpu.vector_load %arg10[%swap3A_563] {strides = array<i32>} : memref<32768xf32, #tpu.memory_space<vmem>>, vector<16xf32>,
      %swap3A_565 = vector.shape_cast %swap3A_564 : vector<16xf32> to vector<16xf32>
      %swap3A_566 = vector.shape_cast %mul3A_554 : vector<16xf32> to vector<16xf32>
      tpu.vector_store %arg10[%swap3A_563], %swap3A_566 {strides = array<i32>} : memref<32768xf32, #tpu.memory_space<vmem>>, vector<16xf32>,
      %mul3A_567 = arith.constant 2.000000e-02 : f32
      %mul3A_568 = vector.broadcast %mul3A_567 : f32 to vector<16xf32>
      %mul3A_569 = arith.mulf %scan3A_535#2, %mul3A_568 : vector<16xf32>
      %mul3A_570 = arith.constant 2 : i32
      %mul3A_571 = arith.muli %mul3A_570, %add3A_499 : i32
      %add3A_572 = arith.constant 0 : i32
      %add3A_573 = arith.addi %mul3A_571, %add3A_572 : i32
      %mul3A_574 = arith.constant 64 : i32
      %mul3A_575 = arith.muli %add3A_573, %mul3A_574 : i32
      %add3A_576 = arith.constant 32 : i32
      %add3A_577 = arith.addi %mul3A_575, %add3A_576 : i32
      %swap3A_578 = arith.index_cast %add3A_577 : i32 to index
      %swap3A_579 = tpu.vector_load %arg10[%swap3A_578] {strides = array<i32>} : memref<32768xf32, #tpu.memory_space<vmem>>, vector<16xf32>,
      %swap3A_580 = vector.shape_cast %swap3A_579 : vector<16xf32> to vector<16xf32>
      %swap3A_581 = vector.shape_cast %mul3A_569 : vector<16xf32> to vector<16xf32>
      tpu.vector_store %arg10[%swap3A_578], %swap3A_581 {strides = array<i32>} : memref<32768xf32, #tpu.memory_space<vmem>>, vector<16xf32>,
      %mul3A_582 = arith.constant 2.000000e-02 : f32
      %mul3A_583 = vector.broadcast %mul3A_582 : f32 to vector<16xf32>
      %mul3A_584 = arith.mulf %scan3A_535#3, %mul3A_583 : vector<16xf32>
      %mul3A_585 = arith.constant 2 : i32
      %mul3A_586 = arith.muli %mul3A_585, %add3A_499 : i32
      %add3A_587 = arith.constant 0 : i32
      %add3A_588 = arith.addi %mul3A_586, %add3A_587 : i32
      %mul3A_589 = arith.constant 64 : i32
      %mul3A_590 = arith.muli %add3A_588, %mul3A_589 : i32
      %add3A_591 = arith.constant 48 : i32
      %add3A_592 = arith.addi %mul3A_590, %add3A_591 : i32
      %swap3A_593 = arith.index_cast %add3A_592 : i32 to index
      %swap3A_594 = tpu.vector_load %arg10[%swap3A_593] {strides = array<i32>} : memref<32768xf32, #tpu.memory_space<vmem>>, vector<16xf32>,
      %swap3A_595 = vector.shape_cast %swap3A_594 : vector<16xf32> to vector<16xf32>
      %swap3A_596 = vector.shape_cast %mul3A_584 : vector<16xf32> to vector<16xf32>
      tpu.vector_store %arg10[%swap3A_593], %swap3A_596 {strides = array<i32>} : memref<32768xf32, #tpu.memory_space<vmem>>, vector<16xf32>,
      %mul3A_597 = arith.constant 2.000000e-02 : f32
      %mul3A_598 = vector.broadcast %mul3A_597 : f32 to vector<16xf32>
      %mul3A_599 = arith.mulf %scan3A_535#4, %mul3A_598 : vector<16xf32>
      %mul3A_600 = arith.constant 2 : i32
      %mul3A_601 = arith.muli %mul3A_600, %add3A_499 : i32
      %add3A_602 = arith.constant 1 : i32
      %add3A_603 = arith.addi %mul3A_601, %add3A_602 : i32
      %mul3A_604 = arith.constant 64 : i32
      %mul3A_605 = arith.muli %add3A_603, %mul3A_604 : i32
      %add3A_606 = arith.constant 0 : i32
      %add3A_607 = arith.addi %mul3A_605, %add3A_606 : i32
      %swap3A_608 = arith.index_cast %add3A_607 : i32 to index
      %swap3A_609 = tpu.vector_load %arg10[%swap3A_608] {strides = array<i32>} : memref<32768xf32, #tpu.memory_space<vmem>>, vector<16xf32>,
      %swap3A_610 = vector.shape_cast %swap3A_609 : vector<16xf32> to vector<16xf32>
      %swap3A_611 = vector.shape_cast %mul3A_599 : vector<16xf32> to vector<16xf32>
      tpu.vector_store %arg10[%swap3A_608], %swap3A_611 {strides = array<i32>} : memref<32768xf32, #tpu.memory_space<vmem>>, vector<16xf32>,
      %mul3A_612 = arith.constant 2.000000e-02 : f32
      %mul3A_613 = vector.broadcast %mul3A_612 : f32 to vector<16xf32>
      %mul3A_614 = arith.mulf %scan3A_535#5, %mul3A_613 : vector<16xf32>
      %mul3A_615 = arith.constant 2 : i32
      %mul3A_616 = arith.muli %mul3A_615, %add3A_499 : i32
      %add3A_617 = arith.constant 1 : i32
      %add3A_618 = arith.addi %mul3A_616, %add3A_617 : i32
      %mul3A_619 = arith.constant 64 : i32
      %mul3A_620 = arith.muli %add3A_618, %mul3A_619 : i32
      %add3A_621 = arith.constant 16 : i32
      %add3A_622 = arith.addi %mul3A_620, %add3A_621 : i32
      %swap3A_623 = arith.index_cast %add3A_622 : i32 to index
      %swap3A_624 = tpu.vector_load %arg10[%swap3A_623] {strides = array<i32>} : memref<32768xf32, #tpu.memory_space<vmem>>, vector<16xf32>,
      %swap3A_625 = vector.shape_cast %swap3A_624 : vector<16xf32> to vector<16xf32>
      %swap3A_626 = vector.shape_cast %mul3A_614 : vector<16xf32> to vector<16xf32>
      tpu.vector_store %arg10[%swap3A_623], %swap3A_626 {strides = array<i32>} : memref<32768xf32, #tpu.memory_space<vmem>>, vector<16xf32>,
      %mul3A_627 = arith.constant 2.000000e-02 : f32
      %mul3A_628 = vector.broadcast %mul3A_627 : f32 to vector<16xf32>
      %mul3A_629 = arith.mulf %scan3A_535#6, %mul3A_628 : vector<16xf32>
      %mul3A_630 = arith.constant 2 : i32
      %mul3A_631 = arith.muli %mul3A_630, %add3A_499 : i32
      %add3A_632 = arith.constant 1 : i32
      %add3A_633 = arith.addi %mul3A_631, %add3A_632 : i32
      %mul3A_634 = arith.constant 64 : i32
      %mul3A_635 = arith.muli %add3A_633, %mul3A_634 : i32
      %add3A_636 = arith.constant 32 : i32
      %add3A_637 = arith.addi %mul3A_635, %add3A_636 : i32
      %swap3A_638 = arith.index_cast %add3A_637 : i32 to index
      %swap3A_639 = tpu.vector_load %arg10[%swap3A_638] {strides = array<i32>} : memref<32768xf32, #tpu.memory_space<vmem>>, vector<16xf32>,
      %swap3A_640 = vector.shape_cast %swap3A_639 : vector<16xf32> to vector<16xf32>
      %swap3A_641 = vector.shape_cast %mul3A_629 : vector<16xf32> to vector<16xf32>
      tpu.vector_store %arg10[%swap3A_638], %swap3A_641 {strides = array<i32>} : memref<32768xf32, #tpu.memory_space<vmem>>, vector<16xf32>,
      %mul3A_642 = arith.constant 2.000000e-02 : f32
      %mul3A_643 = vector.broadcast %mul3A_642 : f32 to vector<16xf32>
      %mul3A_644 = arith.mulf %scan3A_535#7, %mul3A_643 : vector<16xf32>
      %mul3A_645 = arith.constant 2 : i32
      %mul3A_646 = arith.muli %mul3A_645, %add3A_499 : i32
      %add3A_647 = arith.constant 1 : i32
      %add3A_648 = arith.addi %mul3A_646, %add3A_647 : i32
      %mul3A_649 = arith.constant 64 : i32
      %mul3A_650 = arith.muli %add3A_648, %mul3A_649 : i32
      %add3A_651 = arith.constant 48 : i32
      %add3A_652 = arith.addi %mul3A_650, %add3A_651 : i32
      %swap3A_653 = arith.index_cast %add3A_652 : i32 to index
      %swap3A_654 = tpu.vector_load %arg10[%swap3A_653] {strides = array<i32>} : memref<32768xf32, #tpu.memory_space<vmem>>, vector<16xf32>,
      %swap3A_655 = vector.shape_cast %swap3A_654 : vector<16xf32> to vector<16xf32>
      %swap3A_656 = vector.shape_cast %mul3A_644 : vector<16xf32> to vector<16xf32>
      tpu.vector_store %arg10[%swap3A_653], %swap3A_656 {strides = array<i32>} : memref<32768xf32, #tpu.memory_space<vmem>>, vector<16xf32>,
    }
    %scan3A_20 = arith.constant 64 : i32
    %mul3A_21 = arith.constant 32768 : i32
    %mul3A_22 = arith.muli %add3A, %mul3A_21 : i32
    "tpu.region"() ({
      %run_scoped3A = tpu.sem_alloc : memref<!tpu.dma_semaphore, #tpu.memory_space<semaphore_mem>>
      %dma_start3A_23 = tpu.memref_slice %arg4[%mul3A_22] : memref<1048576xf32, #tpu.memory_space<hbm>> -> memref<32768xf32, #tpu.memory_space<hbm>>
      %dma_start3A_24 = tpu.memref_slice %arg4[%mul3A_22] : memref<1048576xf32, #tpu.memory_space<hbm>> -> memref<32768xf32, #tpu.memory_space<hbm>>
      tpu.enqueue_dma source(%arg10 : memref<32768xf32, #tpu.memory_space<vmem>>) target(%dma_start3A_24 : memref<32768xf32, #tpu.memory_space<hbm>>) target_semaphore(%run_scoped3A : memref<!tpu.dma_semaphore, #tpu.memory_space<semaphore_mem>>)
      %dma_wait3A = tpu.memref_slice %arg4[%mul3A_22] : memref<1048576xf32, #tpu.memory_space<hbm>> -> memref<32768xf32, #tpu.memory_space<hbm>>
      %dma_wait3A_25 = tpu.memref_slice %arg4[%mul3A_22] : memref<1048576xf32, #tpu.memory_space<hbm>> -> memref<32768xf32, #tpu.memory_space<hbm>>
      tpu.wait_dma2 semaphore(%run_scoped3A : memref<!tpu.dma_semaphore, #tpu.memory_space<semaphore_mem>>) src(%arg10 : memref<32768xf32, #tpu.memory_space<vmem>>) dst(%dma_wait3A_25 : memref<32768xf32, #tpu.memory_space<hbm>>)
      tpu.yield
    }) : () -> ()
    return
  }
}

module attributes {stable_mosaic.version = 14 : i64} {
  func.func @_tc_repack_body(%arg0: i32, %arg1: memref<64x16384xf32, #tpu.memory_space<vmem>>, %arg2: memref<16384x128xf32, #tpu.memory_space<vmem>>) attributes {dimension_semantics = [#tpu.dimension_semantics<arbitrary>], iteration_bounds = array<i64: 62>, scalar_prefetch = 0 : i64, scratch_operands = 0 : i64, tpu.core_type = #tpu.core_type<tc>, window_params = [{transform_indices = @transform_0, window_bounds = array<i64: 64, 16384>}, {transform_indices = @transform_1, window_bounds = array<i64: 16384, 128>}]} {
    %get3A = arith.constant 0 : index
    %get3A_0 = arith.constant 0 : index
    %get3A_1 = vector.load %arg1[%get3A, %get3A_0] : memref<64x16384xf32, #tpu.memory_space<vmem>>, vector<64x16384xf32>
    %transpose3A = tpu.transpose %get3A_1, [1, 0] : vector<64x16384xf32> -> vector<16384x64xf32>
    %swap3A = arith.constant 0 : index
    %swap3A_2 = arith.constant 0 : index
    %swap3A_3 = vector.load %arg2[%swap3A, %swap3A_2] : memref<16384x128xf32, #tpu.memory_space<vmem>>, vector<16384x64xf32>
    tpu.vector_store %arg2[%swap3A, %swap3A_2], %transpose3A {strides = array<i32>} : memref<16384x128xf32, #tpu.memory_space<vmem>>, vector<16384x64xf32>,
    return
  }
  func.func @transform_0(%arg0: i32) -> (i32, i32) {
    %c0_i32 = arith.constant 0 : i32
    %c0_i32_0 = arith.constant 0 : i32
    return %c0_i32, %arg0 : i32, i32
  }
  func.func @transform_1(%arg0: i32) -> (i32, i32) {
    %c0_i32 = arith.constant 0 : i32
    %c0_i32_0 = arith.constant 0 : i32
    return %arg0, %c0_i32 : i32, i32
  }
}

module attributes {stable_mosaic.version = 14 : i64} {
  func.func @_tc_head_body(%arg0: i32, %arg1: memref<1024x64xf32, #tpu.memory_space<vmem>>, %arg2: memref<1000x64xf32, #tpu.memory_space<vmem>>, %arg3: memref<1000x1xf32, #tpu.memory_space<vmem>>, %arg4: memref<1000x1024xf32, #tpu.memory_space<vmem>>) attributes {dimension_semantics = [#tpu.dimension_semantics<arbitrary>], iteration_bounds = array<i64: 16>, scalar_prefetch = 0 : i64, scratch_operands = 0 : i64, tpu.core_type = #tpu.core_type<tc>, window_params = [{transform_indices = @transform_0, window_bounds = array<i64: 1024, 64>}, {pipeline_mode = #tpu.pipeline_mode<synchronous>, transform_indices = @transform_1, window_bounds = array<i64: 1000, 64>}, {pipeline_mode = #tpu.pipeline_mode<synchronous>, transform_indices = @transform_2, window_bounds = array<i64: 1000, 1>}, {transform_indices = @transform_3, window_bounds = array<i64: 1000, 1024>}]} {
    %get3A = arith.constant 0 : index
    %get3A_0 = arith.constant 0 : index
    %get3A_1 = vector.load %arg2[%get3A, %get3A_0] : memref<1000x64xf32, #tpu.memory_space<vmem>>, vector<1000x64xf32>
    %get3A_2 = arith.constant 0 : index
    %get3A_3 = arith.constant 0 : index
    %get3A_4 = vector.load %arg1[%get3A_2, %get3A_3] : memref<1024x64xf32, #tpu.memory_space<vmem>>, vector<1024x64xf32>
    %dot_general3A = arith.constant dense<0.000000e+00> : vector<1000x1024xf32>
    %dot_general3A_5 = tpu.matmul %get3A_1, %get3A_4, %dot_general3A {dimension_numbers = #tpu.dot_dimension_numbers<[1], [1], [0], [0], [0, 0, 1, 0], [], []>, transpose_lhs_hint = false} : vector<1000x64xf32>, vector<1024x64xf32>, vector<1000x1024xf32> -> vector<1000x1024xf32>
    %get3A_6 = arith.constant 0 : index
    %get3A_7 = arith.constant 0 : index
    %get3A_8 = vector.load %arg3[%get3A_6, %get3A_7] : memref<1000x1xf32, #tpu.memory_space<vmem>>, vector<1000x1xf32>
    %add3A = vector.broadcast %get3A_8 : vector<1000x1xf32> to vector<1000x1024xf32>
    %add3A_9 = arith.addf %dot_general3A_5, %add3A : vector<1000x1024xf32>
    %reduce_max3A = arith.constant dense<0xFF800000> : vector<1024xf32>
    %reduce_max3A_10 = vector.multi_reduction <maximumf>, %add3A_9, %reduce_max3A [0] : vector<1000x1024xf32> to vector<1024xf32>
    %broadcast_in_dim3A = vector.shape_cast %reduce_max3A_10 : vector<1024xf32> to vector<1x1024xf32>
    %sub3A = vector.broadcast %broadcast_in_dim3A : vector<1x1024xf32> to vector<1000x1024xf32>
    %sub3A_11 = arith.subf %add3A_9, %sub3A : vector<1000x1024xf32>
    %exp3A = math.exp %sub3A_11 : vector<1000x1024xf32>
    %reduce_sum3A = arith.constant dense<0.000000e+00> : vector<1024xf32>
    %reduce_sum3A_12 = vector.multi_reduction <add>, %exp3A, %reduce_sum3A [0] : vector<1000x1024xf32> to vector<1024xf32>
    %broadcast_in_dim3A_13 = vector.shape_cast %reduce_sum3A_12 : vector<1024xf32> to vector<1x1024xf32>
    %div3A = vector.broadcast %broadcast_in_dim3A_13 : vector<1x1024xf32> to vector<1000x1024xf32>
    %div3A_14 = arith.divf %exp3A, %div3A : vector<1000x1024xf32>
    %swap3A = arith.constant 0 : index
    %swap3A_15 = arith.constant 0 : index
    %swap3A_16 = vector.load %arg4[%swap3A, %swap3A_15] : memref<1000x1024xf32, #tpu.memory_space<vmem>>, vector<1000x1024xf32>
    tpu.vector_store %arg4[%swap3A, %swap3A_15], %div3A_14 {strides = array<i32>} : memref<1000x1024xf32, #tpu.memory_space<vmem>>, vector<1000x1024xf32>,
    return
  }
  func.func @transform_0(%arg0: i32) -> (i32, i32) {
    %c0_i32 = arith.constant 0 : i32
    %c0_i32_0 = arith.constant 0 : i32
    return %arg0, %c0_i32 : i32, i32
  }
  func.func @transform_1(%arg0: i32) -> (i32, i32) {
    %c0_i32 = arith.constant 0 : i32
    %c0_i32_0 = arith.constant 0 : i32
    %c0_i32_1 = arith.constant 0 : i32
    return %c0_i32, %c0_i32_0 : i32, i32
  }
  func.func @transform_2(%arg0: i32) -> (i32, i32) {
    %c0_i32 = arith.constant 0 : i32
    %c0_i32_0 = arith.constant 0 : i32
    %c0_i32_1 = arith.constant 0 : i32
    return %c0_i32, %c0_i32_0 : i32, i32
  }
  func.func @transform_3(%arg0: i32) -> (i32, i32) {
    %c0_i32 = arith.constant 0 : i32
    %c0_i32_0 = arith.constant 0 : i32
    return %c0_i32, %arg0 : i32, i32
  }
}

</mosaic_0001>

<sc_bundles>
// kernel: _run.5.cloned.1.call-start
scs
__scs_entry_jumppad:
0x0: {  	(pc) =	sbr.rel $0x88, $3  }
0x1: {  	(tag) =	ssettag $0x0;
	lr =	simm.s32 $0x1  }
0x2: {  	[smem:$0x3F9D] =	sst lr;
	_ =	strace $0xD0000000  }
0x3: {  	_ = 	snop  }
0x4: {  	_ = 	snop  }
0x5: {  	_ = 	snop  }
0x6: {  	_ = 	snop  }
0x7: {  	_ = 	snop  }
__scs_overlays_trampoline_lowered:
0x8: {  	[smem:$0x3FAC] =	sst s0  }
0x9: {  	[smem:$0x3FAD] =	sst s1  }
0xa: {  	[smem:$0x3FAE] =	sst s2  }
0xb: {  	[smem:$0x3FAF] =	sst s3  }
0xc: {  	[smem:$0x3FB0] =	sst s4  }
0xd: {  	[smem:$0x3FB1] =	sst s5  }
0xe: {  	[smem:$0x3FB2] =	sst s6  }
0xf: {  	[smem:$0x3FB3] =	sst s7  }
0x10: {  	[smem:$0x3FB4] =	sst s8  }
0x11: {  	[smem:$0x3FB5] =	sst s9;
	s0 =	simm.s32 @!p0 $0x0  }
0x12: {  	s1 =	sld [smem:$0x3F9B];
	s0 =	simm.s32 @p0 $0x1  }
0x13: {  	[smem:$0x3FB6] =	sst s0;
	s0 =	simm.s32 @!p1 $0x0  }
0x14: {  	s2 =	sld [smem:$0x3F9A];
	s0 =	simm.s32 @p1 $0x1  }
0x15: {  	[smem:$0x3FB7] =	sst s0;
	s0 =	simm.s32 @!p2 $0x0  }
0x16: {  	s3 =	sld [smem:$0x3FDB];
	s0 =	simm.s32 @p2 $0x1  }
0x17: {  	s4 =	simm.s32 $0x1BF5;
	[smem:$0x3FB9] =	sst s0  }
0x18: {  	s0 =	sld [smem:$0x3F9C];
	_ =	swait.ge [sflag:s4], $0x0  }
0x19: {  	s7 =	sld [smem:$0x3F9D]  }
0x1a: {  	s8 =	sadd.s32 $0xFFFFE003, lr  }
0x1b: {  	s9 =	sadd.s32 $0xFFFFFEF7, lr;
	s5 =	simm.s32 $0xFFFFFFFF;
	p2 =	slt.u32 s8, $0xFFFFF086  }
0x1c: {  	p1 =	slt.u32 s9, $0xF7A;
	s5 =	simm.s32 @!p2 $0x0  }
0x1d: {  	s5 =	simm.s32 @p1 $0x1;
	p0 =	seq.s32 s7, s2  }
0x1e: {  	s7 =	smul.u32 @!p0 $0xF7A, s2;
	p2 =	seq.s32 @!p0 s5, $0x0  }
0x1f: {  	s9 =	smul.u32 $0xF7A, s1;
	s8 =	simm.s32 @!p0 $0x1BF5;
	p2 =	por !p2, p0  }
0x20: {  	[sflag:s8] =	ssyncset.s32 @!p0 $0xFFFFF086;
	s6 =	sadd.s32 @!p0 s3, s7;
	s7 =	simm.s32 @!p0 $0x108  }
0x21: {  	s3 =	sadd.s32 s3, s9;
	s6 =	sadd.s32 @!p0 $0x88, s6;
	s7 =	simm.s32 @p2 $0x1082  }
0x22: {  	[simem:s7], [sflag:s8] =	dma.local @!p0 [hbm:s6], $0xF7A  }
0x23: {  	s9 =	sor.u32 $0xD0000000, s2;
	s6 =	simm.s32 $0x108;
	_ =	swait.ge @!p0 [sflag:s8], $0x0  }
0x24: {  	s3 =	sadd.s32 $0x88, s3;
	s6 =	simm.s32 @!p1 $0x1082;
	[sflag:s4] =	ssyncset.s32 $0xFFFFF086  }
0x25: {  	[simem:s6], [sflag:s4] =	dma.local [hbm:s3], $0xF7A  }
0x26: {  	[smem:$0x3F9D] =	sst s1;
	(tag) =	ssettag s2;
	_ =	strace s9  }
0x27: {  	s1 =	sld [smem:$0x3FAD]  }
0x28: {  	s2 =	sld [smem:$0x3FAE]  }
0x29: {  	s4 =	sld [smem:$0x3FB0]  }
0x2a: {  	p0 =	seq.s32 s5, $0x0;
	s5 =	sld [smem:$0x3FB1]  }
0x2b: {  	s6 =	sld [smem:$0x3FB2]  }
0x2c: {  	s7 =	sld [smem:$0x3FB3]  }
0x2d: {  	s3 =	simm.s32 $0x108;
	s8 =	sld [smem:$0x3FB4]  }
0x2e: {  	s3 =	simm.s32 @!p0 $0x1082;
	s9 =	sld [smem:$0x3FB5]  }
0x2f: {  	lr =	sadd.s32 s0, s3;
	s0 =	sld [smem:$0x3FAC]  }
0x30: {  	s3 =	sld [smem:$0x3FAF]  }
0x31: {  	[smem:$0x3FB8] =	sst s10  }
0x32: {  	s10 =	sld [smem:$0x3FB6];
	_ =	sdelay $0x3  }
0x33: {  	p0 =	seq.s32 s10, $0x1;
	s10 =	sld [smem:$0x3FB8];
	_ =	sdelay $0x3  }
0x34: {  	[smem:$0x3FB8] =	sst s10  }
0x35: {  	s10 =	sld [smem:$0x3FB7];
	_ =	sdelay $0x3  }
0x36: {  	p1 =	seq.s32 s10, $0x1;
	s10 =	sld [smem:$0x3FB8];
	_ =	sdelay $0x3  }
0x37: {  	[smem:$0x3FB8] =	sst s10  }
0x38: {  	s10 =	sld [smem:$0x3FB9]  }
0x39: {  	_ = 	snop;
	(pc) =	sbr.ind lr, $3  }
0x3a: {  	_ = 	snop  }
0x3b: {  	_ = 	snop  }
0x3c: {  	p2 =	seq.s32 s10, $0x1;
	s10 =	sld [smem:$0x3FB8]  }
0x3d: {  	_ =	shalt  }
0x3e: {  	_ =	shalt  }
0x3f: {  	_ =	shalt  }
0x40: {  	_ =	shalt  }
0x41: {  	_ =	shalt  }
0x42: {  	_ =	shalt  }
0x43: {  	_ =	shalt  }
0x44: {  	_ =	shalt  }
0x45: {  	_ =	shalt  }
0x46: {  	_ =	shalt  }
0x47: {  	_ =	shalt  }
0x48: {  	_ =	shalt  }
0x49: {  	_ =	shalt  }
0x4a: {  	_ =	shalt  }
0x4b: {  	_ =	shalt  }
0x4c: {  	_ =	shalt  }
0x4d: {  	_ =	shalt  }
0x4e: {  	_ =	shalt  }
0x4f: {  	_ =	shalt  }
0x50: {  	_ =	shalt  }
0x51: {  	_ =	shalt  }
0x52: {  	_ =	shalt  }
0x53: {  	_ =	shalt  }
0x54: {  	_ =	shalt  }
0x55: {  	_ =	shalt  }
0x56: {  	_ =	shalt  }
0x57: {  	_ =	shalt  }
0x58: {  	_ =	shalt  }
0x59: {  	_ =	shalt  }
0x5a: {  	_ =	shalt  }
0x5b: {  	_ =	shalt  }
0x5c: {  	_ =	shalt  }
0x5d: {  	_ =	shalt  }
0x5e: {  	_ =	shalt  }
0x5f: {  	_ =	shalt  }
0x60: {  	_ =	shalt  }
0x61: {  	_ =	shalt  }
0x62: {  	_ =	shalt  }
0x63: {  	_ =	shalt  }
0x64: {  	_ =	shalt  }
0x65: {  	_ =	shalt  }
0x66: {  	_ =	shalt  }
0x67: {  	_ =	shalt  }
0x68: {  	_ =	shalt  }
0x69: {  	_ =	shalt  }
0x6a: {  	_ =	shalt  }
0x6b: {  	_ =	shalt  }
0x6c: {  	_ =	shalt  }
0x6d: {  	_ =	shalt  }
0x6e: {  	_ =	shalt  }
0x6f: {  	_ =	shalt  }
0x70: {  	_ =	shalt  }
0x71: {  	_ =	shalt  }
0x72: {  	_ =	shalt  }
0x73: {  	_ =	shalt  }
0x74: {  	_ =	shalt  }
0x75: {  	_ =	shalt  }
0x76: {  	_ =	shalt  }
0x77: {  	_ =	shalt  }
0x78: {  	_ =	shalt  }
0x79: {  	_ =	shalt  }
0x7a: {  	_ =	shalt  }
0x7b: {  	_ =	shalt  }
0x7c: {  	_ =	shalt  }
0x7d: {  	_ =	shalt  }
0x7e: {  	_ =	shalt  }
0x7f: {  	_ =	shalt  }
0x80: {  	_ =	shalt  }
0x81: {  	_ =	shalt  }
0x82: {  	_ =	shalt  }
0x83: {  	_ =	shalt  }
0x84: {  	_ =	shalt  }
0x85: {  	_ =	shalt  }
0x86: {  	_ =	shalt  }
0x87: {  	_ =	shalt  }
.Lfunc_end0:
.L_simem_size_0:
called_computation_lowered:
.L_overlay_start_0:
0x88: {  	s2 =	sld [smem:$0x3FD9]  }
0x89: {  	s3 =	sld [smem:$0x3FFE];
	_ =	sdelay $0x1  }
0x8a: {  	s1 =	srdreg.scid  }
0x8b: {  	s0 =	sand.u32 $0x1, s1  }
0x8c: {  	s17 =	sshll.u32 s0, $0xA;
	s2 =	sadd.s32 s3, s2  }
0x8d: {  	s2 =	sadd.s32 s2, s17  }
0x8e: {  	[smem:$0x3FC4] =	sst s2  }
0x8f: {  	_ = 	snop  }
0x90: {  	s2 =	sld [smem:$0x3FD0];
	(tm) =	ssettm $0x1  }
0x91: {  	s18 =	sld [smem:$0x3FFB];
	_ =	sdelay $0x3  }
0x92: {  	_ =	strace s18  }
0x93: {  	s3 =	sld [smem:$0x3FFC];
	_ =	sdelay $0x3  }
0x94: {  	_ =	strace s3  }
0x95: {  	s3 =	sld [smem:$0x3FFD];
	_ =	sdelay $0x3  }
0x96: {  	_ =	strace s3  }
0x97: {  	_ =	strace $0x8FFFFFFF  }
0x98: {  	s19 =	sld [smem:$0x3FDB];
	_ =	sdelay $0x1  }
0x99: {  	s4 =	simm.s32 $_scs_section_size  }
0x9a: {  	s5 =	simm.s32 $_size__tile_overlayer_lowered;
	s6 =	simm.s32 $_tile_overlayer_lowered  }
0x9b: {  	s22 =	simm.s32 $0x1BFF;
	s21 =	sshll.u32 s6, $0x1;
	s3 =	sadd.s32 s4, s19  }
0x9c: {  	s7 =	simm.s32 $0x0;
	s20 =	sshll.u32 s5, $0x1;
	s5 =	sadd.s32 s21, s3  }
0x9d: {  	[timem:s7], [sflag:s22] =	dma.local [hbm:s5], s20  }
0x9e: {  	_ =	swait.ge [sflag:s22], s20  }
0x9f: {  	s4 =	ssub.s32 $0x0, s20;
	[sflag:s22] =	ssyncset.done $0x0  }
0xa0: {  	[sflag:s22] =	ssyncadd.s32 s4;
	_ =	sdelay $0x1  }
0xa1: {  	s23 =	simm.s32 $0x1B8B  }
0xa2: {  	_ =	swait.ge [sflag:s23], $0x1  }
0xa3: {  	[sflag:s23] =	ssyncset.done $0x0  }
0xa4: {  	s25 =	simm.s32 $0x1B8E;
	s24 =	sld [smem:$0x3FFE];
	[sflag:s23] =	ssyncadd.s32 $0xFFFFFFFF  }
0xa5: {  	s26 =	simm.s32 $execute0_lowered;
	[smem:$0x3FD2] =	sst s25  }
0xa6: {  	s5 =	sshll.u32 s26, $0x1;
	_ =	strace $0x80000046;
	[dreg:$0x1] =	wrdreg $0xFFFFFFFF  }
0xa7: {  	s28 =	simm.s32 $_size_execute0_lowered;
	s3 =	sadd.s32 s3, s5;
	[dreg:$0x0] =	wrdreg $0x0  }
0xa8: {  	s5 =	sshll.u32 s28, $0x1;
	[dreg:$0x2] =	wrdreg s3  }
0xa9: {  	[dreg:$0x3] =	wrdreg s5  }
0xaa: {  	[dreg:$0x4] =	wrdreg $0xC0  }
0xab: {  	_ =	task [dreg:s7], $0x5FFFF  }
0xac: {  	[dreg:$0x1] =	wrdreg $0xFFFFFFFF  }
0xad: {  	[dreg:$0x0] =	wrdreg $0x60  }
0xae: {  	[dreg:$0x2] =	wrdreg s24  }
0xaf: {  	[dreg:$0x3] =	wrdreg s2  }
0xb0: {  	[dreg:$0x4] =	wrdreg $0x9  }
0xb1: {  	_ =	task.clear_ibuf [dreg:s7], $0x5FFFF;
	_ =	strace $0x90000046  }
0xb2: {  	s29 =	simm.s32 $0x9;
	_ =	strace $0x80000048  }
0xb3: {  	_ =	swait.ge [sflag:s29], $0x1  }
0xb4: {  	[sflag:s29] =	ssyncadd.s32 $0xFFFFFFFF  }
0xb5: {  	_ =	strace $0x90000048  }
0xb6: {  	_ =	sfence  }
0xb7: {  	s30 =	sld [smem:$0x0];
	_ =	sdelay $0x2  }
0xb8: {  	s31 =	sshll.u32 s1, $0xD;
	s1 =	sshrl.u32 s1, $0x2  }
0xb9: {  	s3 =	sand.u32 $0x4000, s31;
	s1 =	sadd.s32 s1, s30  }
0xba: {  	s0 =	sor.u32 s3, s0;
	s1 =	sshll.u32 s1, $0x11  }
0xbb: {  	s0 =	sor.u32 s1, s0  }
0xbc: {  	s0 =	sadd.s32 $0x8F2B, s0  }
0xbd: {  	[sflag:s0] =	ssyncadd.remote.s32 $0x1  }
0xbe: {  	_ =	sfence.sel $0xFFFF  }
0xbf: {  	[dreg:$0x0] =	wrdreg $0xFFFFFFFF;
	(pc) =	sbr.abs _section_cstart, $3  }
0xc0: {  	[dreg:$0x1] =	wrdreg $0xFFFFFFFF  }
0xc1: {  	_ =	task.clear_ibuf [dreg:s7], $0x2FFFF;
	_ =	strace $0x9FFFFFFF  }
0xc2: {  	(tm) =	ssettm $0x7FFFFFFF  }
0xc3: {  	_ =	shalt  }
tec
execute0_lowered:
.L_overlay_start_1:
0x0: {  	(tag) =	ssettag $0x1  }
0x1: {  	s1 =	srdreg.scid;
	s3 =	rddreg [dreg:$0x0]  }
0x2: {  	s0 =	stileid.u32;
	s5 =	rddreg [dreg:$0x1];
	s2 =	simm.s32 $0x0  }
0x3: {  	s9 =	simm.s32 $0x6800;
	s10 =	simm.s32 $0x68;
	s11 =	simm.s32 $0x9C00  }
0x4: {  	s12 =	simm.s32 $0xD0;
	s13 =	simm.s32 $0xD000;
	s14 =	simm.s32 $0x10400  }
0x5: {  	s15 =	simm.s32 $0x1;
	s16 =	simm.s32 $0x2;
	s17 =	simm.s32 $0x3  }
0x6: {  	s18 =	simm.s32 $0x4;
	s19 =	simm.s32 $0x13800;
	s20 =	simm.s32 $0x0  }
0x7: {  	s4 =	sand.u32 $0x1, s1;
	s31 =	sshll.u32 s0, $0x1;
	s1 =	rddreg [dreg:$0x2]  }
0x8: {  	[smem:$0x7FF] =	sst s2;
	s6 =	sor.u32 s4, s31;
	s4 =	ssub.s32 $0x2, s4  }
0x9: {  	s7 =	smul.u32 $0xD00, s6;
	s8 =	sshrl.u32 s4, $0x1;
	s6 =	sshll.u32 s6, $0xC  }
0xa: {  	_ =	strace $0x80000047;
	s8 =	ssub.s32 s4, s8;
	s5 =	sadd.s32 s5, s6  }
0xb: {  	s7 =	sadd.s32 s7, s3;
	s3 =	sadd.s32 $0x1A800, s3;
	s6 =	smax.u32 s8, $0x1  }
0xc: {  	s8 =	simm.s32 $0x64;
	s4 =	sadd.s32 $0x800, s7;
	s7 =	simm.s32 $0x5  }
.LBB2_1:
0xd: {  	[tilespmem:s2], [sflag:$0x5] =	stream.linear.gather [hbm4b:s4+s2], $0x6800, $0x38;
	[tilespmem:$0x1B800] =	vst v63  }
0xe: {  	_ =	swait.ge [sflag:s7], $0x6800  }
0xf: {  	[sflag:s7] =	ssyncset.done $0x0  }
0x10: {  	[sflag:s7] =	ssyncadd.s32 $0xFFFF9800  }
0x11: {  	[tilespmem:s9], [sflag:$0x1] =	stream.indirect.gather [hbm4b:s3+s8], $0x80, s2, s8, $0xb8;
	[tilespmem:$0x1B800] =	vst v63  }
0x12: {  	_ = 	snop  }
0x13: {  	[tilespmem:s11], [sflag:$0x2] =	stream.indirect.gather [hbm4b:s3+s8], $0x80, s10, s8, $0xb8;
	[tilespmem:$0x1B800] =	vst v63  }
0x14: {  	s21 =	simm.s32 $0x0  }
0x15: {  	[tilespmem:s13], [sflag:$0x3] =	stream.indirect.gather [hbm4b:s3+s8], $0x80, s12, s8, $0xb8;
	[tilespmem:$0x1B800] =	vst v63  }
.LBB2_2:
0x16: {  	s22 =	sshllo.u32 s21, $0x2  }
0x17: {  	s23 =	smul.u32 $0x1A0, s22;
	_ =	sdelay $0x1  }
0x18: {  	s23 =	sshra.s32 s23, $0x2  }
0x19: {  	[tilespmem:s14], [sflag:$0x4] =	stream.indirect.gather [hbm4b:s3+s8], $0x80, s23, s8, $0xb8;
	[tilespmem:$0x1B800] =	vst v63  }
0x1a: {  	_ =	swait.ge [sflag:s15], $0x3200  }
0x1b: {  	[sflag:s15] =	ssyncset.done $0x0  }
0x1c: {  	s23 =	simm.s32 $0x120;
	[sflag:s15] =	ssyncadd.s32 $0xFFFFCE00  }
0x1d: {  	v4 =	vld [tilespmem:s23+$0x68E0]  }
0x1e: {  	v5 =	vld [tilespmem:s23+$0x68F0]  }
0x1f: {  	v6 =	vld [tilespmem:s23+$0x6900]  }
0x20: {  	v7 =	vld [tilespmem:s23+$0x6910]  }
0x21: {  	v0 =	vld [tilespmem:s23+$0x81E0]  }
0x22: {  	v1 =	vld [tilespmem:s23+$0x81F0]  }
0x23: {  	v10 =	vld [tilespmem:s23+$0x6860]  }
0x24: {  	v13 =	vld [tilespmem:s23+$0x6870]  }
0x25: {  	v9 =	vld [tilespmem:s23+$0x6880]  }
0x26: {  	v11 =	vld [tilespmem:s23+$0x6890]  }
0x27: {  	v3 =	vld [tilespmem:s23+$0x8160]  }
0x28: {  	v2 =	vld [tilespmem:s23+$0x8170]  }
0x29: {  	v12 =	vld [tilespmem:s23+$0x67E0]  }
0x2a: {  	v14 =	vld [tilespmem:s23+$0x67F0]  }
0x2b: {  	v15 =	vld [tilespmem:s23+$0x6800]  }
0x2c: {  	v19 =	vld [tilespmem:s23+$0x6760]  }
0x2d: {  	v20 =	vld [tilespmem:s23+$0x6770]  }
0x2e: {  	v17 =	vld [tilespmem:s23+$0x66E0]  }
0x2f: {  	v18 =	vld [tilespmem:s23+$0x66F0]  }
0x30: {  	v21 =	vld [tilespmem:s23+$0x6700]  }
0x31: {  	v22 =	vld [tilespmem:s23+$0x6710]  }
0x32: {  	v23 =	vld [tilespmem:s23+$0x6780]  }
0x33: {  	v24 =	vld [tilespmem:s23+$0x6790]  }
0x34: {  	v8 =	vimm.f32 $0.0e+00;
	v26 =	vld [tilespmem:s23+$0x6810]  }
0x35: {  	v16 =	vld [tilespmem:s23+$0x80E0];
	v25 =	vadd.f32 v17, v8;
	v27 =	vadd.f32 v18, v8  }
0x36: {  	v17 =	vld [tilespmem:s23+$0x80F0];
	v21 =	vadd.f32 v21, v8;
	v22 =	vadd.f32 v22, v8  }
0x37: {  	v18 =	vld [tilespmem:s23+$0x8060];
	v25 =	vadd.f32 v19, v25;
	v27 =	vadd.f32 v20, v27  }
0x38: {  	v19 =	vld [tilespmem:s23+$0x8070];
	v28 =	vadd.f32 v23, v21;
	v22 =	vadd.f32 v24, v22  }
0x39: {  	v20 =	vld [tilespmem:s23+$0x7FE0];
	v23 =	vadd.f32 v12, v25;
	v24 =	vadd.f32 v14, v27  }
0x3a: {  	v21 =	vld [tilespmem:s23+$0x7FF0];
	v25 =	vadd.f32 v15, v28;
	v26 =	vadd.f32 v26, v22  }
0x3b: {  	s24 =	simm.s32 $0xE80;
	v22 =	vld [tilespmem:s23+$0x8000];
	v15 =	vimm.f32 $0.0e+00;
	v14 =	vimm.f32 $0.0e+00;
	v12 =	vimm.f32 $0.0e+00  }
.LBB2_3:
0x3c: {  	p0 =	sne.s32 s24, $0x5E80;
	v27 =	vld [tilespmem:s23+$0x8010];
	v10 =	vadd.f32 v10, v23;
	v13 =	vadd.f32 v13, v24  }
0x3d: {  	v23 =	vld [tilespmem:s23+$0x8080];
	v9 =	vadd.f32 v9, v25;
	v11 =	vadd.f32 v11, v26  }
0x3e: {  	v24 =	vld [tilespmem:s23+$0x8090];
	v25 =	vadd.f32 v4, v10;
	v26 =	vadd.f32 v5, v13  }
0x3f: {  	v5 =	vld [tilespmem:s23+$0x8100];
	v28 =	vadd.f32 v6, v9;
	v29 =	vadd.f32 v7, v11  }
0x40: {  	v4 =	vadd.f32 v20, v8;
	v6 =	vadd.f32 v21, v15;
	v7 =	vld [tilespmem:s23+$0x8110]  }
0x41: {  	v8 =	vadd.f32 v22, v14;
	v9 =	vadd.f32 v27, v12;
	v10 =	vld [tilespmem:s23+$0x8180]  }
0x42: {  	v4 =	vadd.f32 v18, v4;
	v6 =	vadd.f32 v19, v6;
	v11 =	vld [tilespmem:s23+$0x8190]  }
0x43: {  	v8 =	vadd.f32 v23, v8;
	v9 =	vadd.f32 v24, v9;
	v12 =	vld [tilespmem:s23+$0x8200]  }
0x44: {  	v13 =	vadd.f32 v16, v4;
	v6 =	vadd.f32 v17, v6;
	v16 =	vld [tilespmem:s23+$0x8210];
	s23 =	sshra.s32 s24, $0x2  }
0x45: {  	v8 =	vadd.f32 v5, v8;
	v4 =	vld [tilespmem:s23+$0x68E0];
	v7 =	vadd.f32 v7, v9  }
0x46: {  	v3 =	vadd.f32 v3, v13;
	v2 =	vadd.f32 v2, v6;
	v5 =	vld [tilespmem:s23+$0x68F0]  }
0x47: {  	v9 =	vadd.f32 v10, v8;
	v6 =	vld [tilespmem:s23+$0x6900];
	v10 =	vadd.f32 v11, v7  }
0x48: {  	v8 =	vadd.f32 v0, v3;
	v15 =	vadd.f32 v1, v2;
	v7 =	vld [tilespmem:s23+$0x6910]  }
0x49: {  	v14 =	vadd.f32 v12, v9;
	v0 =	vld [tilespmem:s23+$0x81E0];
	v12 =	vadd.f32 v16, v10  }
0x4a: {  	v1 =	vld [tilespmem:s23+$0x81F0]  }
0x4b: {  	v10 =	vld [tilespmem:s23+$0x6860]  }
0x4c: {  	v13 =	vld [tilespmem:s23+$0x6870]  }
0x4d: {  	v9 =	vld [tilespmem:s23+$0x6880]  }
0x4e: {  	v11 =	vld [tilespmem:s23+$0x6890]  }
0x4f: {  	v3 =	vld [tilespmem:s23+$0x8160]  }
0x50: {  	v2 =	vld [tilespmem:s23+$0x8170]  }
0x51: {  	v22 =	vld [tilespmem:s23+$0x67E0]  }
0x52: {  	v24 =	vld [tilespmem:s23+$0x67F0]  }
0x53: {  	v27 =	vld [tilespmem:s23+$0x6800]  }
0x54: {  	v30 =	vld [tilespmem:s23+$0x6810]  }
0x55: {  	v19 =	vld [tilespmem:s23+$0x6760]  }
0x56: {  	v20 =	vld [tilespmem:s23+$0x6770]  }
0x57: {  	v17 =	vld [tilespmem:s23+$0x66E0]  }
0x58: {  	v18 =	vld [tilespmem:s23+$0x66F0]  }
0x59: {  	v21 =	vld [tilespmem:s23+$0x6700]  }
0x5a: {  	v23 =	vld [tilespmem:s23+$0x6710]  }
0x5b: {  	v31 =	vld [tilespmem:s23+$0x6780]  }
0x5c: {  	v32 =	vld [tilespmem:s23+$0x6790]  }
0x5d: {  	v16 =	vld [tilespmem:s23+$0x80E0]  }
0x5e: {  	v25 =	vadd.f32 v17, v25;
	v26 =	vadd.f32 v18, v26;
	v17 =	vld [tilespmem:s23+$0x80F0]  }
.Ltmp0:
0x5f: {  	v21 =	vadd.f32 v21, v28;
	v23 =	vadd.f32 v23, v29;
	v18 =	vld [tilespmem:s23+$0x8060];
	(pc) =	sbr.rel @p0 .LBB2_3-.Ltmp0, $4  }
0x60: {  	v25 =	vadd.f32 v19, v25;
	v26 =	vadd.f32 v20, v26;
	v19 =	vld [tilespmem:s23+$0x8070]  }
0x61: {  	v28 =	vadd.f32 v31, v21;
	v20 =	vld [tilespmem:s23+$0x7FE0];
	v29 =	vadd.f32 v32, v23  }
0x62: {  	v23 =	vadd.f32 v22, v25;
	v24 =	vadd.f32 v24, v26;
	v21 =	vld [tilespmem:s23+$0x7FF0]  }
0x63: {  	s24 =	sadd.s32 $0xA00, s24;
	v25 =	vadd.f32 v27, v28;
	v22 =	vld [tilespmem:s23+$0x8000];
	v26 =	vadd.f32 v30, v29  }
0x64: {  	v10 =	vadd.f32 v10, v23;
	v13 =	vadd.f32 v13, v24  }
0x65: {  	v23 =	vld [tilespmem:s23+$0x8010];
	v9 =	vadd.f32 v9, v25;
	v11 =	vadd.f32 v11, v26  }
0x66: {  	v24 =	vld [tilespmem:s23+$0x8080];
	v4 =	vadd.f32 v4, v10;
	v5 =	vadd.f32 v5, v13  }
0x67: {  	v10 =	vld [tilespmem:s23+$0x8090];
	v8 =	vadd.f32 v20, v8;
	v6 =	vadd.f32 v6, v9  }
0x68: {  	v9 =	vld [tilespmem:s23+$0x8100];
	v7 =	vadd.f32 v7, v11;
	v11 =	vadd.f32 v21, v15  }
0x69: {  	v13 =	vld [tilespmem:s23+$0x8110];
	v14 =	vadd.f32 v22, v14;
	v8 =	vadd.f32 v18, v8  }
0x6a: {  	v15 =	vld [tilespmem:s23+$0x8180];
	v12 =	vadd.f32 v23, v12;
	v11 =	vadd.f32 v19, v11  }
0x6b: {  	v18 =	vld [tilespmem:s23+$0x8190];
	v14 =	vadd.f32 v24, v14;
	v8 =	vadd.f32 v16, v8  }
0x6c: {  	v10 =	vadd.f32 v10, v12;
	v12 =	vld [tilespmem:s23+$0x8200];
	v11 =	vadd.f32 v17, v11  }
0x6d: {  	s31 =	sshll.u32 s21, $0x9;
	v4 =	vmul.f32 $1.999999960e-02, v4;
	v16 =	vld [tilespmem:s23+$0x8210];
	v9 =	vadd.f32 v9, v14;
	v3 =	vadd.f32 v3, v8  }
0x6e: {  	v5 =	vmul.f32 $1.999999960e-02, v5;
	s23 =	sand.u32 $0x3FFFFE00, s31;
	v8 =	vadd.f32 v13, v10;
	v2 =	vadd.f32 v2, v11  }
0x6f: {  	[tilespmem:s23+$0x13800] =	vst v4;
	v9 =	vadd.f32 v15, v9;
	v0 =	vadd.f32 v0, v3;
	v3 =	vmul.f32 $1.999999960e-02, v6  }
0x70: {  	[tilespmem:s23+$0x13810] =	vst v5;
	v4 =	vadd.f32 v18, v8;
	v1 =	vadd.f32 v1, v2;
	v2 =	vmul.f32 $1.999999960e-02, v7  }
0x71: {  	v5 =	vadd.f32 v12, v9;
	[tilespmem:s23+$0x13820] =	vst v3;
	v0 =	vmul.f32 $1.999999960e-02, v0  }
0x72: {  	p0 =	seq.s32 s21, $0x3F;
	v3 =	vadd.f32 v16, v4;
	[tilespmem:s23+$0x13830] =	vst v2;
	v1 =	vmul.f32 $1.999999960e-02, v1  }
0x73: {  	s24 =	smul.u32 @!p0 $0x680, s21;
	[tilespmem:s23+$0x13840] =	vst v0;
	v0 =	vmul.f32 $1.999999960e-02, v5  }
0x74: {  	[tilespmem:s23+$0x13850] =	vst v1;
	v1 =	vmul.f32 $1.999999960e-02, v3  }
0x75: {  	s24 =	sshra.s32 @!p0 s24, $0x2;
	[tilespmem:s23+$0x13860] =	vst v0  }
0x76: {  	s26 =	simm.s32 @!p0 $0x64;
	s28 =	simm.s32 @!p0 $0x6800;
	s25 =	sadd.s32 @!p0 $0x1A0, s24;
	[tilespmem:s23+$0x13870] =	vst v1  }
0x77: {  	[tilespmem:s28], [sflag:$0x1] =	stream.indirect.gather @!p0 [hbm4b:s3+s26], $0x80, s25, s26, $0xb8;
	[tilespmem:$0x1B800] =	vst v63  }
0x78: {  	_ =	swait.ge [sflag:s16], $0x3200  }
0x79: {  	[sflag:s16] =	ssyncset.done $0x0  }
0x7a: {  	s25 =	simm.s32 $0x120;
	[sflag:s16] =	ssyncadd.s32 $0xFFFFCE00  }
0x7b: {  	v4 =	vld [tilespmem:s25+$0x9CE0]  }
0x7c: {  	v5 =	vld [tilespmem:s25+$0x9CF0]  }
0x7d: {  	v6 =	vld [tilespmem:s25+$0x9D00]  }
0x7e: {  	v7 =	vld [tilespmem:s25+$0x9D10]  }
0x7f: {  	v0 =	vld [tilespmem:s25+$0xB5E0]  }
0x80: {  	v1 =	vld [tilespmem:s25+$0xB5F0]  }
0x81: {  	v10 =	vld [tilespmem:s25+$0x9C60]  }
0x82: {  	v13 =	vld [tilespmem:s25+$0x9C70]  }
0x83: {  	v9 =	vld [tilespmem:s25+$0x9C80]  }
0x84: {  	v11 =	vld [tilespmem:s25+$0x9C90]  }
0x85: {  	v3 =	vld [tilespmem:s25+$0xB560]  }
0x86: {  	v2 =	vld [tilespmem:s25+$0xB570]  }
0x87: {  	v12 =	vld [tilespmem:s25+$0x9BE0]  }
0x88: {  	v14 =	vld [tilespmem:s25+$0x9BF0]  }
0x89: {  	v15 =	vld [tilespmem:s25+$0x9C00]  }
0x8a: {  	v19 =	vld [tilespmem:s25+$0x9B60]  }
0x8b: {  	v20 =	vld [tilespmem:s25+$0x9B70]  }
0x8c: {  	v17 =	vld [tilespmem:s25+$0x9AE0]  }
0x8d: {  	v18 =	vld [tilespmem:s25+$0x9AF0]  }
0x8e: {  	v21 =	vld [tilespmem:s25+$0x9B00]  }
0x8f: {  	v22 =	vld [tilespmem:s25+$0x9B10]  }
0x90: {  	v23 =	vld [tilespmem:s25+$0x9B80]  }
0x91: {  	v24 =	vld [tilespmem:s25+$0x9B90]  }
0x92: {  	v8 =	vimm.f32 $0.0e+00;
	v26 =	vld [tilespmem:s25+$0x9C10]  }
0x93: {  	v16 =	vld [tilespmem:s25+$0xB4E0];
	v25 =	vadd.f32 v17, v8;
	v27 =	vadd.f32 v18, v8  }
0x94: {  	v17 =	vld [tilespmem:s25+$0xB4F0];
	v21 =	vadd.f32 v21, v8;
	v22 =	vadd.f32 v22, v8  }
0x95: {  	v18 =	vld [tilespmem:s25+$0xB460];
	v25 =	vadd.f32 v19, v25;
	v27 =	vadd.f32 v20, v27  }
0x96: {  	v19 =	vld [tilespmem:s25+$0xB470];
	v28 =	vadd.f32 v23, v21;
	v22 =	vadd.f32 v24, v22  }
0x97: {  	v20 =	vld [tilespmem:s25+$0xB3E0];
	v23 =	vadd.f32 v12, v25;
	v24 =	vadd.f32 v14, v27  }
0x98: {  	v21 =	vld [tilespmem:s25+$0xB3F0];
	v25 =	vadd.f32 v15, v28;
	v26 =	vadd.f32 v26, v22  }
0x99: {  	s26 =	simm.s32 $0xE80;
	v22 =	vld [tilespmem:s25+$0xB400];
	v15 =	vimm.f32 $0.0e+00;
	v14 =	vimm.f32 $0.0e+00;
	v12 =	vimm.f32 $0.0e+00  }
.LBB2_5:
0x9a: {  	p1 =	sne.s32 s26, $0x5E80;
	v27 =	vld [tilespmem:s25+$0xB410];
	v10 =	vadd.f32 v10, v23;
	v13 =	vadd.f32 v13, v24  }
0x9b: {  	v23 =	vld [tilespmem:s25+$0xB480];
	v9 =	vadd.f32 v9, v25;
	v11 =	vadd.f32 v11, v26  }
0x9c: {  	v24 =	vld [tilespmem:s25+$0xB490];
	v25 =	vadd.f32 v4, v10;
	v26 =	vadd.f32 v5, v13  }
0x9d: {  	v5 =	vld [tilespmem:s25+$0xB500];
	v28 =	vadd.f32 v6, v9;
	v29 =	vadd.f32 v7, v11  }
0x9e: {  	v4 =	vadd.f32 v20, v8;
	v6 =	vadd.f32 v21, v15;
	v7 =	vld [tilespmem:s25+$0xB510]  }
0x9f: {  	v8 =	vadd.f32 v22, v14;
	v9 =	vadd.f32 v27, v12;
	v10 =	vld [tilespmem:s25+$0xB580]  }
0xa0: {  	v4 =	vadd.f32 v18, v4;
	v6 =	vadd.f32 v19, v6;
	v11 =	vld [tilespmem:s25+$0xB590]  }
0xa1: {  	v8 =	vadd.f32 v23, v8;
	v9 =	vadd.f32 v24, v9;
	v12 =	vld [tilespmem:s25+$0xB600]  }
0xa2: {  	v13 =	vadd.f32 v16, v4;
	v6 =	vadd.f32 v17, v6;
	v16 =	vld [tilespmem:s25+$0xB610];
	s25 =	sshra.s32 s26, $0x2  }
0xa3: {  	v8 =	vadd.f32 v5, v8;
	v4 =	vld [tilespmem:s25+$0x9CE0];
	v7 =	vadd.f32 v7, v9  }
0xa4: {  	v3 =	vadd.f32 v3, v13;
	v2 =	vadd.f32 v2, v6;
	v5 =	vld [tilespmem:s25+$0x9CF0]  }
0xa5: {  	v9 =	vadd.f32 v10, v8;
	v6 =	vld [tilespmem:s25+$0x9D00];
	v10 =	vadd.f32 v11, v7  }
0xa6: {  	v8 =	vadd.f32 v0, v3;
	v15 =	vadd.f32 v1, v2;
	v7 =	vld [tilespmem:s25+$0x9D10]  }
0xa7: {  	v14 =	vadd.f32 v12, v9;
	v0 =	vld [tilespmem:s25+$0xB5E0];
	v12 =	vadd.f32 v16, v10  }
0xa8: {  	v1 =	vld [tilespmem:s25+$0xB5F0]  }
0xa9: {  	v10 =	vld [tilespmem:s25+$0x9C60]  }
0xaa: {  	v13 =	vld [tilespmem:s25+$0x9C70]  }
0xab: {  	v9 =	vld [tilespmem:s25+$0x9C80]  }
0xac: {  	v11 =	vld [tilespmem:s25+$0x9C90]  }
0xad: {  	v3 =	vld [tilespmem:s25+$0xB560]  }
0xae: {  	v2 =	vld [tilespmem:s25+$0xB570]  }
0xaf: {  	v22 =	vld [tilespmem:s25+$0x9BE0]  }
0xb0: {  	v24 =	vld [tilespmem:s25+$0x9BF0]  }
0xb1: {  	v27 =	vld [tilespmem:s25+$0x9C00]  }
0xb2: {  	v30 =	vld [tilespmem:s25+$0x9C10]  }
0xb3: {  	v19 =	vld [tilespmem:s25+$0x9B60]  }
0xb4: {  	v20 =	vld [tilespmem:s25+$0x9B70]  }
0xb5: {  	v17 =	vld [tilespmem:s25+$0x9AE0]  }
0xb6: {  	v18 =	vld [tilespmem:s25+$0x9AF0]  }
0xb7: {  	v21 =	vld [tilespmem:s25+$0x9B00]  }
0xb8: {  	v23 =	vld [tilespmem:s25+$0x9B10]  }
0xb9: {  	v31 =	vld [tilespmem:s25+$0x9B80]  }
0xba: {  	v32 =	vld [tilespmem:s25+$0x9B90]  }
0xbb: {  	v16 =	vld [tilespmem:s25+$0xB4E0]  }
0xbc: {  	v25 =	vadd.f32 v17, v25;
	v26 =	vadd.f32 v18, v26;
	v17 =	vld [tilespmem:s25+$0xB4F0]  }
.Ltmp1:
0xbd: {  	v21 =	vadd.f32 v21, v28;
	v23 =	vadd.f32 v23, v29;
	v18 =	vld [tilespmem:s25+$0xB460];
	(pc) =	sbr.rel @p1 .LBB2_5-.Ltmp1, $4  }
0xbe: {  	v25 =	vadd.f32 v19, v25;
	v26 =	vadd.f32 v20, v26;
	v19 =	vld [tilespmem:s25+$0xB470]  }
0xbf: {  	v28 =	vadd.f32 v31, v21;
	v20 =	vld [tilespmem:s25+$0xB3E0];
	v29 =	vadd.f32 v32, v23  }
0xc0: {  	v23 =	vadd.f32 v22, v25;
	v24 =	vadd.f32 v24, v26;
	v21 =	vld [tilespmem:s25+$0xB3F0]  }
0xc1: {  	s26 =	sadd.s32 $0xA00, s26;
	v25 =	vadd.f32 v27, v28;
	v22 =	vld [tilespmem:s25+$0xB400];
	v26 =	vadd.f32 v30, v29  }
0xc2: {  	v10 =	vadd.f32 v10, v23;
	v13 =	vadd.f32 v13, v24  }
0xc3: {  	v23 =	vld [tilespmem:s25+$0xB410];
	v9 =	vadd.f32 v9, v25;
	v11 =	vadd.f32 v11, v26  }
0xc4: {  	v24 =	vld [tilespmem:s25+$0xB480];
	v4 =	vadd.f32 v4, v10;
	v5 =	vadd.f32 v5, v13  }
0xc5: {  	v10 =	vld [tilespmem:s25+$0xB490];
	v8 =	vadd.f32 v20, v8;
	v6 =	vadd.f32 v6, v9  }
0xc6: {  	v9 =	vld [tilespmem:s25+$0xB500];
	v7 =	vadd.f32 v7, v11;
	v11 =	vadd.f32 v21, v15  }
0xc7: {  	v13 =	vld [tilespmem:s25+$0xB510];
	v14 =	vadd.f32 v22, v14;
	v8 =	vadd.f32 v18, v8  }
0xc8: {  	v15 =	vld [tilespmem:s25+$0xB580];
	v12 =	vadd.f32 v23, v12;
	v11 =	vadd.f32 v19, v11  }
0xc9: {  	v18 =	vld [tilespmem:s25+$0xB590];
	v14 =	vadd.f32 v24, v14;
	v8 =	vadd.f32 v16, v8  }
0xca: {  	v10 =	vadd.f32 v10, v12;
	v12 =	vld [tilespmem:s25+$0xB600];
	v11 =	vadd.f32 v17, v11  }
0xcb: {  	v4 =	vmul.f32 $1.999999960e-02, v4;
	v16 =	vld [tilespmem:s25+$0xB610];
	v9 =	vadd.f32 v9, v14;
	v3 =	vadd.f32 v3, v8  }
0xcc: {  	v5 =	vmul.f32 $1.999999960e-02, v5;
	v8 =	vadd.f32 v13, v10;
	v2 =	vadd.f32 v2, v11  }
0xcd: {  	[tilespmem:s23+$0x13880] =	vst v4;
	v9 =	vadd.f32 v15, v9;
	v0 =	vadd.f32 v0, v3;
	v3 =	vmul.f32 $1.999999960e-02, v6  }
0xce: {  	[tilespmem:s23+$0x13890] =	vst v5;
	v4 =	vadd.f32 v18, v8;
	v1 =	vadd.f32 v1, v2;
	v2 =	vmul.f32 $1.999999960e-02, v7  }
0xcf: {  	v5 =	vadd.f32 v12, v9;
	[tilespmem:s23+$0x138A0] =	vst v3;
	v0 =	vmul.f32 $1.999999960e-02, v0  }
0xd0: {  	v3 =	vadd.f32 v16, v4;
	[tilespmem:s23+$0x138B0] =	vst v2;
	v1 =	vmul.f32 $1.999999960e-02, v1  }
0xd1: {  	[tilespmem:s23+$0x138C0] =	vst v0;
	v0 =	vmul.f32 $1.999999960e-02, v5  }
0xd2: {  	[tilespmem:s23+$0x138D0] =	vst v1;
	v1 =	vmul.f32 $1.999999960e-02, v3  }
0xd3: {  	[tilespmem:s23+$0x138E0] =	vst v0  }
0xd4: {  	s26 =	simm.s32 @!p0 $0x64;
	s28 =	simm.s32 @!p0 $0x9C00;
	s25 =	sadd.s32 @!p0 $0x208, s24;
	[tilespmem:s23+$0x138F0] =	vst v1  }
0xd5: {  	[tilespmem:s28], [sflag:$0x2] =	stream.indirect.gather @!p0 [hbm4b:s3+s26], $0x80, s25, s26, $0xb8;
	[tilespmem:$0x1B800] =	vst v63  }
0xd6: {  	_ =	swait.ge [sflag:s17], $0x3200  }
0xd7: {  	[sflag:s17] =	ssyncset.done $0x0  }
0xd8: {  	s25 =	simm.s32 $0x120;
	[sflag:s17] =	ssyncadd.s32 $0xFFFFCE00  }
0xd9: {  	v4 =	vld [tilespmem:s25+$0xD0E0]  }
0xda: {  	v5 =	vld [tilespmem:s25+$0xD0F0]  }
0xdb: {  	v6 =	vld [tilespmem:s25+$0xD100]  }
0xdc: {  	v7 =	vld [tilespmem:s25+$0xD110]  }
0xdd: {  	v0 =	vld [tilespmem:s25+$0xE9E0]  }
0xde: {  	v1 =	vld [tilespmem:s25+$0xE9F0]  }
0xdf: {  	v10 =	vld [tilespmem:s25+$0xD060]  }
0xe0: {  	v13 =	vld [tilespmem:s25+$0xD070]  }
0xe1: {  	v9 =	vld [tilespmem:s25+$0xD080]  }
0xe2: {  	v11 =	vld [tilespmem:s25+$0xD090]  }
0xe3: {  	v3 =	vld [tilespmem:s25+$0xE960]  }
0xe4: {  	v2 =	vld [tilespmem:s25+$0xE970]  }
0xe5: {  	v12 =	vld [tilespmem:s25+$0xCFE0]  }
0xe6: {  	v14 =	vld [tilespmem:s25+$0xCFF0]  }
0xe7: {  	v15 =	vld [tilespmem:s25+$0xD000]  }
0xe8: {  	v19 =	vld [tilespmem:s25+$0xCF60]  }
0xe9: {  	v20 =	vld [tilespmem:s25+$0xCF70]  }
0xea: {  	v17 =	vld [tilespmem:s25+$0xCEE0]  }
0xeb: {  	v18 =	vld [tilespmem:s25+$0xCEF0]  }
0xec: {  	v21 =	vld [tilespmem:s25+$0xCF00]  }
0xed: {  	v22 =	vld [tilespmem:s25+$0xCF10]  }
0xee: {  	v23 =	vld [tilespmem:s25+$0xCF80]  }
0xef: {  	v24 =	vld [tilespmem:s25+$0xCF90]  }
0xf0: {  	v8 =	vimm.f32 $0.0e+00;
	v26 =	vld [tilespmem:s25+$0xD010]  }
0xf1: {  	v16 =	vld [tilespmem:s25+$0xE8E0];
	v25 =	vadd.f32 v17, v8;
	v27 =	vadd.f32 v18, v8  }
0xf2: {  	v17 =	vld [tilespmem:s25+$0xE8F0];
	v21 =	vadd.f32 v21, v8;
	v22 =	vadd.f32 v22, v8  }
0xf3: {  	v18 =	vld [tilespmem:s25+$0xE860];
	v25 =	vadd.f32 v19, v25;
	v27 =	vadd.f32 v20, v27  }
0xf4: {  	v19 =	vld [tilespmem:s25+$0xE870];
	v28 =	vadd.f32 v23, v21;
	v22 =	vadd.f32 v24, v22  }
0xf5: {  	v20 =	vld [tilespmem:s25+$0xE7E0];
	v23 =	vadd.f32 v12, v25;
	v24 =	vadd.f32 v14, v27  }
0xf6: {  	v21 =	vld [tilespmem:s25+$0xE7F0];
	v25 =	vadd.f32 v15, v28;
	v26 =	vadd.f32 v26, v22  }
0xf7: {  	s26 =	simm.s32 $0xE80;
	v22 =	vld [tilespmem:s25+$0xE800];
	v15 =	vimm.f32 $0.0e+00;
	v14 =	vimm.f32 $0.0e+00;
	v12 =	vimm.f32 $0.0e+00  }
.LBB2_7:
0xf8: {  	p1 =	sne.s32 s26, $0x5E80;
	v27 =	vld [tilespmem:s25+$0xE810];
	v10 =	vadd.f32 v10, v23;
	v13 =	vadd.f32 v13, v24  }
0xf9: {  	v23 =	vld [tilespmem:s25+$0xE880];
	v9 =	vadd.f32 v9, v25;
	v11 =	vadd.f32 v11, v26  }
0xfa: {  	v24 =	vld [tilespmem:s25+$0xE890];
	v25 =	vadd.f32 v4, v10;
	v26 =	vadd.f32 v5, v13  }
0xfb: {  	v5 =	vld [tilespmem:s25+$0xE900];
	v28 =	vadd.f32 v6, v9;
	v29 =	vadd.f32 v7, v11  }
0xfc: {  	v4 =	vadd.f32 v20, v8;
	v6 =	vadd.f32 v21, v15;
	v7 =	vld [tilespmem:s25+$0xE910]  }
0xfd: {  	v8 =	vadd.f32 v22, v14;
	v9 =	vadd.f32 v27, v12;
	v10 =	vld [tilespmem:s25+$0xE980]  }
0xfe: {  	v4 =	vadd.f32 v18, v4;
	v6 =	vadd.f32 v19, v6;
	v11 =	vld [tilespmem:s25+$0xE990]  }
0xff: {  	v8 =	vadd.f32 v23, v8;
	v9 =	vadd.f32 v24, v9;
	v12 =	vld [tilespmem:s25+$0xEA00]  }
0x100: {  	v13 =	vadd.f32 v16, v4;
	v6 =	vadd.f32 v17, v6;
	v16 =	vld [tilespmem:s25+$0xEA10];
	s25 =	sshra.s32 s26, $0x2  }
0x101: {  	v8 =	vadd.f32 v5, v8;
	v4 =	vld [tilespmem:s25+$0xD0E0];
	v7 =	vadd.f32 v7, v9  }
0x102: {  	v3 =	vadd.f32 v3, v13;
	v2 =	vadd.f32 v2, v6;
	v5 =	vld [tilespmem:s25+$0xD0F0]  }
0x103: {  	v9 =	vadd.f32 v10, v8;
	v6 =	vld [tilespmem:s25+$0xD100];
	v10 =	vadd.f32 v11, v7  }
0x104: {  	v8 =	vadd.f32 v0, v3;
	v15 =	vadd.f32 v1, v2;
	v7 =	vld [tilespmem:s25+$0xD110]  }
0x105: {  	v14 =	vadd.f32 v12, v9;
	v0 =	vld [tilespmem:s25+$0xE9E0];
	v12 =	vadd.f32 v16, v10  }
0x106: {  	v1 =	vld [tilespmem:s25+$0xE9F0]  }
0x107: {  	v10 =	vld [tilespmem:s25+$0xD060]  }
0x108: {  	v13 =	vld [tilespmem:s25+$0xD070]  }
0x109: {  	v9 =	vld [tilespmem:s25+$0xD080]  }
0x10a: {  	v11 =	vld [tilespmem:s25+$0xD090]  }
0x10b: {  	v3 =	vld [tilespmem:s25+$0xE960]  }
0x10c: {  	v2 =	vld [tilespmem:s25+$0xE970]  }
0x10d: {  	v22 =	vld [tilespmem:s25+$0xCFE0]  }
0x10e: {  	v24 =	vld [tilespmem:s25+$0xCFF0]  }
0x10f: {  	v27 =	vld [tilespmem:s25+$0xD000]  }
0x110: {  	v30 =	vld [tilespmem:s25+$0xD010]  }
0x111: {  	v19 =	vld [tilespmem:s25+$0xCF60]  }
0x112: {  	v20 =	vld [tilespmem:s25+$0xCF70]  }
0x113: {  	v17 =	vld [tilespmem:s25+$0xCEE0]  }
0x114: {  	v18 =	vld [tilespmem:s25+$0xCEF0]  }
0x115: {  	v21 =	vld [tilespmem:s25+$0xCF00]  }
0x116: {  	v23 =	vld [tilespmem:s25+$0xCF10]  }
0x117: {  	v31 =	vld [tilespmem:s25+$0xCF80]  }
0x118: {  	v32 =	vld [tilespmem:s25+$0xCF90]  }
0x119: {  	v16 =	vld [tilespmem:s25+$0xE8E0]  }
0x11a: {  	v25 =	vadd.f32 v17, v25;
	v26 =	vadd.f32 v18, v26;
	v17 =	vld [tilespmem:s25+$0xE8F0]  }
.Ltmp2:
0x11b: {  	v21 =	vadd.f32 v21, v28;
	v23 =	vadd.f32 v23, v29;
	v18 =	vld [tilespmem:s25+$0xE860];
	(pc) =	sbr.rel @p1 .LBB2_7-.Ltmp2, $4  }
0x11c: {  	v25 =	vadd.f32 v19, v25;
	v26 =	vadd.f32 v20, v26;
	v19 =	vld [tilespmem:s25+$0xE870]  }
0x11d: {  	v28 =	vadd.f32 v31, v21;
	v20 =	vld [tilespmem:s25+$0xE7E0];
	v29 =	vadd.f32 v32, v23  }
0x11e: {  	v23 =	vadd.f32 v22, v25;
	v24 =	vadd.f32 v24, v26;
	v21 =	vld [tilespmem:s25+$0xE7F0]  }
0x11f: {  	s26 =	sadd.s32 $0xA00, s26;
	v25 =	vadd.f32 v27, v28;
	v22 =	vld [tilespmem:s25+$0xE800];
	v26 =	vadd.f32 v30, v29  }
0x120: {  	v10 =	vadd.f32 v10, v23;
	v13 =	vadd.f32 v13, v24  }
0x121: {  	v23 =	vld [tilespmem:s25+$0xE810];
	v9 =	vadd.f32 v9, v25;
	v11 =	vadd.f32 v11, v26  }
0x122: {  	v24 =	vld [tilespmem:s25+$0xE880];
	v4 =	vadd.f32 v4, v10;
	v5 =	vadd.f32 v5, v13  }
0x123: {  	v10 =	vld [tilespmem:s25+$0xE890];
	v8 =	vadd.f32 v20, v8;
	v6 =	vadd.f32 v6, v9  }
0x124: {  	v9 =	vld [tilespmem:s25+$0xE900];
	v7 =	vadd.f32 v7, v11;
	v11 =	vadd.f32 v21, v15  }
0x125: {  	v13 =	vld [tilespmem:s25+$0xE910];
	v14 =	vadd.f32 v22, v14;
	v8 =	vadd.f32 v18, v8  }
0x126: {  	v15 =	vld [tilespmem:s25+$0xE980];
	v12 =	vadd.f32 v23, v12;
	v11 =	vadd.f32 v19, v11  }
0x127: {  	v18 =	vld [tilespmem:s25+$0xE990];
	v14 =	vadd.f32 v24, v14;
	v8 =	vadd.f32 v16, v8  }
0x128: {  	v10 =	vadd.f32 v10, v12;
	v12 =	vld [tilespmem:s25+$0xEA00];
	v11 =	vadd.f32 v17, v11  }
0x129: {  	v4 =	vmul.f32 $1.999999960e-02, v4;
	v16 =	vld [tilespmem:s25+$0xEA10];
	v9 =	vadd.f32 v9, v14;
	v3 =	vadd.f32 v3, v8  }
0x12a: {  	v5 =	vmul.f32 $1.999999960e-02, v5;
	v8 =	vadd.f32 v13, v10;
	v2 =	vadd.f32 v2, v11  }
0x12b: {  	[tilespmem:s23+$0x13900] =	vst v4;
	v9 =	vadd.f32 v15, v9;
	v0 =	vadd.f32 v0, v3;
	v3 =	vmul.f32 $1.999999960e-02, v6  }
0x12c: {  	[tilespmem:s23+$0x13910] =	vst v5;
	v4 =	vadd.f32 v18, v8;
	v1 =	vadd.f32 v1, v2;
	v2 =	vmul.f32 $1.999999960e-02, v7  }
0x12d: {  	v5 =	vadd.f32 v12, v9;
	[tilespmem:s23+$0x13920] =	vst v3;
	v0 =	vmul.f32 $1.999999960e-02, v0  }
0x12e: {  	v3 =	vadd.f32 v16, v4;
	[tilespmem:s23+$0x13930] =	vst v2;
	v1 =	vmul.f32 $1.999999960e-02, v1  }
0x12f: {  	[tilespmem:s23+$0x13940] =	vst v0;
	v0 =	vmul.f32 $1.999999960e-02, v5  }
0x130: {  	[tilespmem:s23+$0x13950] =	vst v1;
	v1 =	vmul.f32 $1.999999960e-02, v3  }
0x131: {  	[tilespmem:s23+$0x13960] =	vst v0  }
0x132: {  	s25 =	simm.s32 @!p0 $0xD000;
	[tilespmem:s23+$0x13970] =	vst v1;
	s23 =	sadd.s32 @!p0 $0x270, s24;
	s24 =	simm.s32 @!p0 $0x64  }
0x133: {  	[tilespmem:s25], [sflag:$0x3] =	stream.indirect.gather @!p0 [hbm4b:s3+s24], $0x80, s23, s24, $0xb8;
	[tilespmem:$0x1B800] =	vst v63  }
0x134: {  	_ =	swait.ge [sflag:s18], $0x3200  }
0x135: {  	[sflag:s18] =	ssyncset.done $0x0  }
0x136: {  	s23 =	simm.s32 $0x120;
	[sflag:s18] =	ssyncadd.s32 $0xFFFFCE00  }
0x137: {  	v4 =	vld [tilespmem:s23+$0x104E0]  }
0x138: {  	v5 =	vld [tilespmem:s23+$0x104F0]  }
0x139: {  	v6 =	vld [tilespmem:s23+$0x10500]  }
0x13a: {  	v7 =	vld [tilespmem:s23+$0x10510]  }
0x13b: {  	v0 =	vld [tilespmem:s23+$0x11DE0]  }
0x13c: {  	v1 =	vld [tilespmem:s23+$0x11DF0]  }
0x13d: {  	v10 =	vld [tilespmem:s23+$0x10460]  }
0x13e: {  	v13 =	vld [tilespmem:s23+$0x10470]  }
0x13f: {  	v9 =	vld [tilespmem:s23+$0x10480]  }
0x140: {  	v11 =	vld [tilespmem:s23+$0x10490]  }
0x141: {  	v3 =	vld [tilespmem:s23+$0x11D60]  }
0x142: {  	v2 =	vld [tilespmem:s23+$0x11D70]  }
0x143: {  	v12 =	vld [tilespmem:s23+$0x103E0]  }
0x144: {  	v14 =	vld [tilespmem:s23+$0x103F0]  }
0x145: {  	v15 =	vld [tilespmem:s23+$0x10400]  }
0x146: {  	v19 =	vld [tilespmem:s23+$0x10360]  }
0x147: {  	v20 =	vld [tilespmem:s23+$0x10370]  }
0x148: {  	v17 =	vld [tilespmem:s23+$0x102E0]  }
0x149: {  	v18 =	vld [tilespmem:s23+$0x102F0]  }
0x14a: {  	v21 =	vld [tilespmem:s23+$0x10300]  }
0x14b: {  	v22 =	vld [tilespmem:s23+$0x10310]  }
0x14c: {  	v23 =	vld [tilespmem:s23+$0x10380]  }
0x14d: {  	v24 =	vld [tilespmem:s23+$0x10390]  }
0x14e: {  	v8 =	vimm.f32 $0.0e+00;
	v26 =	vld [tilespmem:s23+$0x10410]  }
0x14f: {  	v16 =	vld [tilespmem:s23+$0x11CE0];
	v25 =	vadd.f32 v17, v8;
	v27 =	vadd.f32 v18, v8  }
0x150: {  	v17 =	vld [tilespmem:s23+$0x11CF0];
	v21 =	vadd.f32 v21, v8;
	v22 =	vadd.f32 v22, v8  }
0x151: {  	v18 =	vld [tilespmem:s23+$0x11C60];
	v25 =	vadd.f32 v19, v25;
	v27 =	vadd.f32 v20, v27  }
0x152: {  	v19 =	vld [tilespmem:s23+$0x11C70];
	v28 =	vadd.f32 v23, v21;
	v22 =	vadd.f32 v24, v22  }
0x153: {  	v20 =	vld [tilespmem:s23+$0x11BE0];
	v23 =	vadd.f32 v12, v25;
	v24 =	vadd.f32 v14, v27  }
0x154: {  	v21 =	vld [tilespmem:s23+$0x11BF0];
	v25 =	vadd.f32 v15, v28;
	v26 =	vadd.f32 v26, v22  }
0x155: {  	s24 =	simm.s32 $0xE80;
	v22 =	vld [tilespmem:s23+$0x11C00];
	v15 =	vimm.f32 $0.0e+00;
	v14 =	vimm.f32 $0.0e+00;
	v12 =	vimm.f32 $0.0e+00  }
.LBB2_9:
0x156: {  	p0 =	sne.s32 s24, $0x5E80;
	v27 =	vld [tilespmem:s23+$0x11C10];
	v10 =	vadd.f32 v10, v23;
	v13 =	vadd.f32 v13, v24  }
0x157: {  	v23 =	vld [tilespmem:s23+$0x11C80];
	v9 =	vadd.f32 v9, v25;
	v11 =	vadd.f32 v11, v26  }
0x158: {  	v24 =	vld [tilespmem:s23+$0x11C90];
	v25 =	vadd.f32 v4, v10;
	v26 =	vadd.f32 v5, v13  }
0x159: {  	v5 =	vld [tilespmem:s23+$0x11D00];
	v28 =	vadd.f32 v6, v9;
	v29 =	vadd.f32 v7, v11  }
0x15a: {  	v4 =	vadd.f32 v20, v8;
	v6 =	vadd.f32 v21, v15;
	v7 =	vld [tilespmem:s23+$0x11D10]  }
0x15b: {  	v8 =	vadd.f32 v22, v14;
	v9 =	vadd.f32 v27, v12;
	v10 =	vld [tilespmem:s23+$0x11D80]  }
0x15c: {  	v4 =	vadd.f32 v18, v4;
	v6 =	vadd.f32 v19, v6;
	v11 =	vld [tilespmem:s23+$0x11D90]  }
0x15d: {  	v8 =	vadd.f32 v23, v8;
	v9 =	vadd.f32 v24, v9;
	v12 =	vld [tilespmem:s23+$0x11E00]  }
0x15e: {  	v13 =	vadd.f32 v16, v4;
	v6 =	vadd.f32 v17, v6;
	v16 =	vld [tilespmem:s23+$0x11E10];
	s23 =	sshra.s32 s24, $0x2  }
0x15f: {  	v8 =	vadd.f32 v5, v8;
	v4 =	vld [tilespmem:s23+$0x104E0];
	v7 =	vadd.f32 v7, v9  }
0x160: {  	v3 =	vadd.f32 v3, v13;
	v2 =	vadd.f32 v2, v6;
	v5 =	vld [tilespmem:s23+$0x104F0]  }
0x161: {  	v9 =	vadd.f32 v10, v8;
	v6 =	vld [tilespmem:s23+$0x10500];
	v10 =	vadd.f32 v11, v7  }
0x162: {  	v8 =	vadd.f32 v0, v3;
	v15 =	vadd.f32 v1, v2;
	v7 =	vld [tilespmem:s23+$0x10510]  }
0x163: {  	v14 =	vadd.f32 v12, v9;
	v0 =	vld [tilespmem:s23+$0x11DE0];
	v12 =	vadd.f32 v16, v10  }
0x164: {  	v1 =	vld [tilespmem:s23+$0x11DF0]  }
0x165: {  	v10 =	vld [tilespmem:s23+$0x10460]  }
0x166: {  	v13 =	vld [tilespmem:s23+$0x10470]  }
0x167: {  	v9 =	vld [tilespmem:s23+$0x10480]  }
0x168: {  	v11 =	vld [tilespmem:s23+$0x10490]  }
0x169: {  	v3 =	vld [tilespmem:s23+$0x11D60]  }
0x16a: {  	v2 =	vld [tilespmem:s23+$0x11D70]  }
0x16b: {  	v22 =	vld [tilespmem:s23+$0x103E0]  }
0x16c: {  	v24 =	vld [tilespmem:s23+$0x103F0]  }
0x16d: {  	v27 =	vld [tilespmem:s23+$0x10400]  }
0x16e: {  	v30 =	vld [tilespmem:s23+$0x10410]  }
0x16f: {  	v19 =	vld [tilespmem:s23+$0x10360]  }
0x170: {  	v20 =	vld [tilespmem:s23+$0x10370]  }
0x171: {  	v17 =	vld [tilespmem:s23+$0x102E0]  }
0x172: {  	v18 =	vld [tilespmem:s23+$0x102F0]  }
0x173: {  	v21 =	vld [tilespmem:s23+$0x10300]  }
0x174: {  	v23 =	vld [tilespmem:s23+$0x10310]  }
0x175: {  	v31 =	vld [tilespmem:s23+$0x10380]  }
0x176: {  	v32 =	vld [tilespmem:s23+$0x10390]  }
0x177: {  	v16 =	vld [tilespmem:s23+$0x11CE0]  }
0x178: {  	v25 =	vadd.f32 v17, v25;
	v26 =	vadd.f32 v18, v26;
	v17 =	vld [tilespmem:s23+$0x11CF0]  }
.Ltmp3:
0x179: {  	v21 =	vadd.f32 v21, v28;
	v23 =	vadd.f32 v23, v29;
	v18 =	vld [tilespmem:s23+$0x11C60];
	(pc) =	sbr.rel @p0 .LBB2_9-.Ltmp3, $4  }
0x17a: {  	v25 =	vadd.f32 v19, v25;
	v26 =	vadd.f32 v20, v26;
	v19 =	vld [tilespmem:s23+$0x11C70]  }
0x17b: {  	v28 =	vadd.f32 v31, v21;
	v20 =	vld [tilespmem:s23+$0x11BE0];
	v29 =	vadd.f32 v32, v23  }
0x17c: {  	v23 =	vadd.f32 v22, v25;
	v24 =	vadd.f32 v24, v26;
	v21 =	vld [tilespmem:s23+$0x11BF0]  }
0x17d: {  	s24 =	sadd.s32 $0xA00, s24;
	v25 =	vadd.f32 v27, v28;
	v22 =	vld [tilespmem:s23+$0x11C00];
	v26 =	vadd.f32 v30, v29  }
0x17e: {  	v10 =	vadd.f32 v10, v23;
	v13 =	vadd.f32 v13, v24  }
0x17f: {  	v46 =	vld [tilespmem:s23+$0x11C10];
	v9 =	vadd.f32 v9, v25;
	v11 =	vadd.f32 v11, v26  }
0x180: {  	v47 =	vld [tilespmem:s23+$0x11C80];
	v4 =	vadd.f32 v4, v10;
	v5 =	vadd.f32 v5, v13  }
0x181: {  	v48 =	vld [tilespmem:s23+$0x11C90];
	v8 =	vadd.f32 v20, v8;
	v6 =	vadd.f32 v6, v9  }
0x182: {  	v49 =	vld [tilespmem:s23+$0x11D00];
	v7 =	vadd.f32 v7, v11;
	v50 =	vadd.f32 v21, v15  }
0x183: {  	v51 =	vld [tilespmem:s23+$0x11D10];
	v14 =	vadd.f32 v22, v14;
	v8 =	vadd.f32 v18, v8  }
0x184: {  	v52 =	vld [tilespmem:s23+$0x11D80];
	v12 =	vadd.f32 v46, v12;
	v11 =	vadd.f32 v19, v50  }
0x185: {  	v53 =	vld [tilespmem:s23+$0x11D90];
	v14 =	vadd.f32 v47, v14;
	v8 =	vadd.f32 v16, v8  }
0x186: {  	v54 =	vld [tilespmem:s23+$0x11E00];
	v10 =	vadd.f32 v48, v12;
	v11 =	vadd.f32 v17, v11  }
0x187: {  	v55 =	vld [tilespmem:s23+$0x11E10];
	s22 =	sshll.u32 s22, $0x7;
	v4 =	vmul.f32 $1.999999960e-02, v4;
	v9 =	vadd.f32 v49, v14;
	v3 =	vadd.f32 v3, v8  }
0x188: {  	s22 =	sand.u32 $0x3FFFFF80, s22;
	v5 =	vmul.f32 $1.999999960e-02, v5;
	v56 =	vadd.f32 v51, v10;
	v2 =	vadd.f32 v2, v11  }
0x189: {  	v57 =	vmul.f32 $1.999999960e-02, v6;
	[tilespmem:s22+$0x13800] =	vst v4;
	v9 =	vadd.f32 v52, v9;
	v0 =	vadd.f32 v0, v3  }
0x18a: {  	s21 =	sadd.s32 $0x1, s21;
	v59 =	vmul.f32 $1.999999960e-02, v7;
	[tilespmem:s22+$0x13810] =	vst v5;
	v58 =	vadd.f32 v53, v56;
	v1 =	vadd.f32 v1, v2  }
0x18b: {  	p0 =	sne.s32 s21, $0x40;
	[tilespmem:s22+$0x13820] =	vst v57;
	v60 =	vadd.f32 v54, v9;
	v0 =	vmul.f32 $1.999999960e-02, v0  }
.Ltmp4:
0x18c: {  	[tilespmem:s22+$0x13830] =	vst v59;
	v61 =	vadd.f32 v55, v58;
	v1 =	vmul.f32 $1.999999960e-02, v1;
	(pc) =	sbr.rel @p0 .LBB2_2-.Ltmp4, $4  }
0x18d: {  	[tilespmem:s22+$0x13840] =	vst v0;
	v62 =	vmul.f32 $1.999999960e-02, v60  }
0x18e: {  	[tilespmem:s22+$0x13850] =	vst v1;
	v63 =	vmul.f32 $1.999999960e-02, v61  }
0x18f: {  	[tilespmem:s22+$0x13860] =	vst v62  }
0x190: {  	[tilespmem:s22+$0x13870] =	vst v63  }
0x191: {  	s20 =	sadd.s32 $0x1, s20  }
0x192: {  	p0 =	sne.s32 s20, s6  }
.Ltmp5:
0x193: {  	_ = 	snop;
	(pc) =	sbr.rel @p0 .LBB2_1-.Ltmp5, $4  }
0x194: {  	[hbm4b:s5+s2] =	stream.linear.scatter [tilespmem:s19], [sflag:$0x5], $0x8000, $0x38;
	[tilespmem:$0x1B800] =	vst v63  }
0x195: {  	_ =	swait.ge [sflag:s7], $0x8000  }
0x196: {  	[sflag:s7] =	ssyncset.done $0x0  }
0x197: {  	[sflag:s7] =	ssyncadd.s32 $0xFFFF8000  }
0x198: {  	_ =	sfence.sel $0x180000  }
0x199: {  	[bflag:$0x0] =	sbarrier.arrive $0xFFFF  }
0x19a: {  	p0 =	sne.s32 s0, $0x0;
	_ =	strace $0x90000047  }
0x19b: {  	s0 =	sadd.s32 @!p0 $0x100000, s1;
	[bflag:$0x2] =	sbarrier.arrive $0xFFFF  }
0x19c: {  	[sflag:s0] =	ssyncadd.tile.s32 @!p0 $0x1;
	_ =	shalt  }
.Lfunc_end2:
_tile_overlayer_lowered:
.L_overlay_start_2:
0x19d: {  	(tag) =	ssettag $0x2  }
0x19e: {  	s0 =	rddreg [dreg:$0x0];
	s2 =	stileid.u32  }
0x19f: {  	s1 =	rddreg [dreg:$0x1];
	p0 =	sne.s32 s2, $0x0  }
0x1a0: {  	s3 =	rddreg [dreg:$0x2];
	[bflag:$0x3] =	sbarrier.arrive $0xFFFF;
	s2 =	simm.s32 @!p0 $0x1C05  }
0x1a1: {  	[timem:s3], [sflag:s2] =	dma.local @!p0 [hbm:s0], s1  }
0x1a2: {  	s0 =	simm.s32 @!p0 $0x5  }
0x1a3: {  	_ =	swait.ge @!p0 [sflag:s0], s1  }
0x1a4: {  	s1 =	ssub.s32 @!p0 $0x0, s1;
	[sflag:s0] =	ssyncset.done @!p0 $0x0  }
0x1a5: {  	[sflag:s0] =	ssyncadd.s32 @!p0 s1  }
0x1a6: {  	[bflag:$0x3] =	sbarrier.arrive $0xFFFF  }
0x1a7: {  	_ =	shalt  }

</sc_bundles>
